<compile_context>
chip_gen: v7x
topology: tpu7x:2x2x1
jax: 0.10.2.dev20260603
libtpu: 0.0.44.dev20260713+nightly
codegen_flags: <defaults>
</compile_context>

<pallas_src>
import numpy as np
import jax
import jax.numpy as jnp
from jax.experimental import pallas as pl

C = 96
H = 384
W = 384
N = H * W
OH = 600
OW = 1200
R = 16
NB = H // R
BLK = R * W
EXT = BLK + 2 * W


def _resize_weights(in_size, out_size):
    inv_scale = in_size / out_size
    sample_f = (np.arange(out_size) + 0.5) * inv_scale - 0.5
    x = np.abs(sample_f[None, :] - np.arange(in_size)[:, None])
    w = np.maximum(0.0, 1.0 - x)
    total = w.sum(axis=0, keepdims=True)
    w = np.where(w > 1e-12, w / total, 0.0)
    return w.astype(np.float32)


def _stencil(xx, base_row):
    L = xx.shape[1] - 2 * W
    above = xx[:, :L]
    below = xx[:, 2 * W:]
    center_l = xx[:, W - 1: W - 1 + L]
    center_r = xx[:, W + 1: W + 1 + L]
    lane = jax.lax.broadcasted_iota(jnp.int32, (1, L), 1)
    wpos = lane % W
    row = (base_row + 1) + lane // W
    left = jnp.where(wpos == 0, 0.0, center_l)
    right = jnp.where(wpos == W - 1, 0.0, center_r)
    agg = (above + below) + (left + right)
    cnt = ((row > 0).astype(jnp.float32) + (row < H - 1).astype(jnp.float32)
           + (wpos > 0).astype(jnp.float32) + (wpos < W - 1).astype(jnp.float32))
    return agg / cnt


def _fused_layers_block(x_ref, up_ref, dn_ref,
                        w1l_ref, w1r_ref, b1_ref, w2l_ref, w2r_ref, b2_ref,
                        o_ref):
    i = pl.program_id(0)
    xc = x_ref[...]
    up2 = jnp.where(i == 0, 0.0, up_ref[...])
    dn2 = jnp.where(i == NB - 1, 0.0, dn_ref[...])
    xx = jnp.concatenate([up2, xc, dn2], axis=1)

    a_row = i * R
    mean1 = _stencil(xx, a_row - 2)
    cen1 = xx[:, W: W + EXT]
    h = (jnp.dot(w1l_ref[...], mean1, preferred_element_type=jnp.float32)
         + jnp.dot(w1r_ref[...], cen1, preferred_element_type=jnp.float32)
         + b1_ref[...])
    h = jnp.maximum(h, 0.0)
    lane = jax.lax.broadcasted_iota(jnp.int32, (1, EXT), 1)
    hrow = (a_row - 1) + lane // W
    h = jnp.where((hrow >= 0) & (hrow < H), h, 0.0)

    mean2 = _stencil(h, a_row - 1)
    cen2 = h[:, W: W + BLK]
    g = (jnp.dot(w2l_ref[...], mean2, preferred_element_type=jnp.float32)
         + jnp.dot(w2r_ref[...], cen2, preferred_element_type=jnp.float32)
         + b2_ref[...])
    o_ref[...] = g


def _fused_layers(x2, w1l, w1r, b1, w2l, w2r, b2):
    return pl.pallas_call(
        _fused_layers_block,
        grid=(NB,),
        in_specs=[
            pl.BlockSpec((C, BLK), lambda i: (0, i)),
            pl.BlockSpec((C, 2 * W), lambda i: (0, jnp.maximum(i * (R // 2) - 1, 0))),
            pl.BlockSpec((C, 2 * W),
                         lambda i: (0, jnp.minimum((i + 1) * (R // 2), N // (2 * W) - 1))),
            pl.BlockSpec((C, C), lambda i: (0, 0)),
            pl.BlockSpec((C, C), lambda i: (0, 0)),
            pl.BlockSpec((C, 1), lambda i: (0, 0)),
            pl.BlockSpec((C, C), lambda i: (0, 0)),
            pl.BlockSpec((C, C), lambda i: (0, 0)),
            pl.BlockSpec((C, 1), lambda i: (0, 0)),
        ],
        out_specs=pl.BlockSpec((C, BLK), lambda i: (0, i)),
        out_shape=jax.ShapeDtypeStruct((C, N), jnp.float32),
    )(x2, x2, x2, w1l, w1r, b1, w2l, w2r, b2)


def _upsample_block(g_ref, a_ref, b_ref, o_ref):
    gc = g_ref[0]
    t = jnp.dot(a_ref[...], gc, preferred_element_type=jnp.float32)
    o_ref[0] = jnp.dot(t, b_ref[...], preferred_element_type=jnp.float32)


def _upsample(g3, a, b):
    return pl.pallas_call(
        _upsample_block,
        grid=(C,),
        in_specs=[
            pl.BlockSpec((1, H, W), lambda c: (c, 0, 0)),
            pl.BlockSpec((OH, H), lambda c: (0, 0)),
            pl.BlockSpec((W, OW), lambda c: (0, 0)),
        ],
        out_specs=pl.BlockSpec((1, OH, OW), lambda c: (c, 0, 0)),
        out_shape=jax.ShapeDtypeStruct((C, OH, OW), jnp.float32),
    )(g3, a, b)


def kernel(x, W1l, b1, W1r, W2l, b2, W2r):
    x2 = x.reshape(C, N)
    g = _fused_layers(x2, W1l, W1r, b1.reshape(C, 1),
                      W2l, W2r, b2.reshape(C, 1))
    a = jnp.asarray(_resize_weights(H, OH).T)
    bw = jnp.asarray(_resize_weights(W, OW))
    out = _upsample(g.reshape(C, H, W), a, bw)
    return out.reshape(1, C, OH, OW)

# --- scband reference (transcript-rebuilt; emitter-appended) ---
"""Pipeline reference for scband-spa-g-60301340836138 (READ-ONLY COPY).

The authoritative reference and input builder live on the scoring server;
editing this copy changes nothing except your own understanding.
"""

import jax, jax.numpy as jnp
import numpy as np


def _grid_edges(B, H, W):
    # 4-neighbor grid graph per batch element, bidirectional edges
    idx = np.arange(H * W).reshape(H, W)
    right = np.stack([idx[:, :-1].ravel(), idx[:, 1:].ravel()])
    down = np.stack([idx[:-1, :].ravel(), idx[1:, :].ravel()])
    e = np.concatenate([right, down], axis=1)
    e = np.concatenate([e, e[::-1]], axis=1)  # both directions
    all_e = np.concatenate([e + b * H * W for b in range(B)], axis=1)
    return jnp.asarray(all_e, dtype=jnp.int32)


def _sage_conv(x, edge_index, Wl, bl, Wr, num_nodes):
    # PyG SAGEConv (mean aggr): out = lin_l(mean_j x_j) + lin_r(x)
    src = edge_index[0]
    dst = edge_index[1]
    msg = x[src]
    agg = jax.ops.segment_sum(msg, dst, num_segments=num_nodes)
    cnt = jax.ops.segment_sum(jnp.ones((src.shape[0], 1), dtype=x.dtype), dst, num_segments=num_nodes)
    mean = agg / jnp.clip(cnt, 1.0)
    return mean @ Wl.T + bl + x @ Wr.T


def setup_inputs(seed: int = 0) -> dict:
    key = jax.random.key(seed)
    ks = jax.random.split(key, 7)
    C = 96
    x = jax.random.normal(ks[0], (1, 96, 384, 384), dtype=jnp.float32)
    s = 1.0 / np.sqrt(C)
    W1l = jax.random.normal(ks[1], (C, C), dtype=jnp.float32) * s
    b1 = jnp.zeros((C,), dtype=jnp.float32)
    W1r = jax.random.normal(ks[2], (C, C), dtype=jnp.float32) * s
    W2l = jax.random.normal(ks[3], (C, C), dtype=jnp.float32) * s
    b2 = jnp.zeros((C,), dtype=jnp.float32)
    W2r = jax.random.normal(ks[4], (C, C), dtype=jnp.float32) * s
    return {"x": x, "W1l": W1l, "b1": b1, "W1r": W1r, "W2l": W2l, "b2": b2, "W2r": W2r}


def reference(x, W1l, b1, W1r, W2l, b2, W2r):
    B, C, H, W = x.shape
    N = B * H * W
    # feature_map_to_graph: pixels -> nodes, channels -> node features
    nodes = jnp.transpose(x, (0, 2, 3, 1)).reshape(N, C)
    edge_index = _grid_edges(B, H, W)
    h = _sage_conv(nodes, edge_index, W1l, b1, W1r, N)
    h = jax.nn.relu(h)
    h = _sage_conv(h, edge_index, W2l, b2, W2r, N)
    g = h.reshape(B, H, W, C).transpose(0, 3, 1, 2)
    # nn.Upsample(size=(600,1200), mode='bilinear', align_corners=False)
    out = jax.image.resize(g, (B, C, 600, 1200), method='bilinear')
    return out

if __name__ == "__main__":
    import jax
    _d = setup_inputs()
    print(jax.jit(kernel)(*tuple(_d.values())))

</pallas_src>

<mosaic_0001>
module attributes {stable_mosaic.version = 14 : i64} {
  func.func @_fused_layers_block(%arg0: i32, %arg1: memref<96x6144xf32, #tpu.memory_space<vmem>>, %arg2: memref<96x768xf32, #tpu.memory_space<vmem>>, %arg3: memref<96x768xf32, #tpu.memory_space<vmem>>, %arg4: memref<96x96xf32, #tpu.memory_space<vmem>>, %arg5: memref<96x96xf32, #tpu.memory_space<vmem>>, %arg6: memref<96x1xf32, #tpu.memory_space<vmem>>, %arg7: memref<96x96xf32, #tpu.memory_space<vmem>>, %arg8: memref<96x96xf32, #tpu.memory_space<vmem>>, %arg9: memref<96x1xf32, #tpu.memory_space<vmem>>, %arg10: memref<96x6144xf32, #tpu.memory_space<vmem>>) attributes {dimension_semantics = [#tpu.dimension_semantics<arbitrary>], iteration_bounds = array<i64: 24>, scalar_prefetch = 0 : i64, scratch_operands = 0 : i64, tpu.core_type = #tpu.core_type<tc>, window_params = [{transform_indices = @transform_0, window_bounds = array<i64: 96, 6144>}, {transform_indices = @transform_1, window_bounds = array<i64: 96, 768>}, {transform_indices = @transform_2, window_bounds = array<i64: 96, 768>}, {pipeline_mode = #tpu.pipeline_mode<synchronous>, transform_indices = @transform_3, window_bounds = array<i64: 96, 96>}, {pipeline_mode = #tpu.pipeline_mode<synchronous>, transform_indices = @transform_4, window_bounds = array<i64: 96, 96>}, {pipeline_mode = #tpu.pipeline_mode<synchronous>, transform_indices = @transform_5, window_bounds = array<i64: 96, 1>}, {pipeline_mode = #tpu.pipeline_mode<synchronous>, transform_indices = @transform_6, window_bounds = array<i64: 96, 96>}, {pipeline_mode = #tpu.pipeline_mode<synchronous>, transform_indices = @transform_7, window_bounds = array<i64: 96, 96>}, {pipeline_mode = #tpu.pipeline_mode<synchronous>, transform_indices = @transform_8, window_bounds = array<i64: 96, 1>}, {transform_indices = @transform_9, window_bounds = array<i64: 96, 6144>}]} {
    %get3A = arith.constant 0 : index
    %get3A_0 = arith.constant 0 : index
    %get3A_1 = vector.load %arg1[%get3A, %get3A_0] : memref<96x6144xf32, #tpu.memory_space<vmem>>, vector<96x6144xf32>
    %eq3A = arith.constant 0 : i32
    %eq3A_2 = arith.cmpi eq, %arg0, %eq3A : i32
    %get3A_3 = arith.constant 0 : index
    %get3A_4 = arith.constant 0 : index
    %get3A_5 = vector.load %arg2[%get3A_3, %get3A_4] : memref<96x768xf32, #tpu.memory_space<vmem>>, vector<96x768xf32>
    %jit3A = arith.constant 0.000000e+00 : f32
    %broadcast_in_dim3A = vector.broadcast %jit3A : f32 to vector<96x768xf32>
    %select_n3A = arith.select %eq3A_2, %broadcast_in_dim3A, %get3A_5 : vector<96x768xf32>
    %eq3A_6 = arith.constant 23 : i32
    %eq3A_7 = arith.cmpi eq, %arg0, %eq3A_6 : i32
    %get3A_8 = arith.constant 0 : index
    %get3A_9 = arith.constant 0 : index
    %get3A_10 = vector.load %arg3[%get3A_8, %get3A_9] : memref<96x768xf32, #tpu.memory_space<vmem>>, vector<96x768xf32>
    %jit3A_11 = arith.constant 0.000000e+00 : f32
    %broadcast_in_dim3A_12 = vector.broadcast %jit3A_11 : f32 to vector<96x768xf32>
    %select_n3A_13 = arith.select %eq3A_7, %broadcast_in_dim3A_12, %get3A_10 : vector<96x768xf32>
    %concatenate3A = tpu.concatenate %select_n3A, %get3A_1, %select_n3A_13 in 1 : vector<96x768xf32>, vector<96x6144xf32>, vector<96x768xf32> -> vector<96x7680xf32>
    %mul3A = arith.constant 16 : i32
    %mul3A_14 = arith.muli %arg0, %mul3A : i32
    %sub3A = arith.constant 2 : i32
    %sub3A_15 = arith.subi %mul3A_14, %sub3A : i32
    %slice3A = vector.extract_strided_slice %concatenate3A {offsets = [0, 0], sizes = [96, 6912], strides = [1, 1]} : vector<96x7680xf32> to vector<96x6912xf32>
    %slice3A_16 = vector.extract_strided_slice %concatenate3A {offsets = [0, 768], sizes = [96, 6912], strides = [1, 1]} : vector<96x7680xf32> to vector<96x6912xf32>
    %slice3A_17 = vector.extract_strided_slice %concatenate3A {offsets = [0, 383], sizes = [96, 6912], strides = [1, 1]} : vector<96x7680xf32> to vector<96x6912xf32>
    %slice3A_18 = vector.extract_strided_slice %concatenate3A {offsets = [0, 385], sizes = [96, 6912], strides = [1, 1]} : vector<96x7680xf32> to vector<96x6912xf32>
    %iota3A = tpu.iota {dimensions = array<i32: 1>} : vector<1x6912xi32>
    %jit3A_19 = arith.constant 384 : i32
    %eq3A_20 = arith.constant 0 : i32
    %eq3A_21 = arith.cmpi eq, %jit3A_19, %eq3A_20 : i32
    %jit3A_22 = arith.constant 1 : i32
    %select_n3A_23 = arith.select %eq3A_21, %jit3A_22, %jit3A_19 : i32
    %rem3A = vector.broadcast %select_n3A_23 : i32 to vector<1x6912xi32>
    %rem3A_24 = arith.remsi %iota3A, %rem3A : vector<1x6912xi32>
    %ne3A = arith.constant 0 : i32
    %ne3A_25 = vector.broadcast %ne3A : i32 to vector<1x6912xi32>
    %ne3A_26 = arith.cmpi ne, %rem3A_24, %ne3A_25 : vector<1x6912xi32>
    %lt3A = arith.constant 0 : i32
    %lt3A_27 = vector.broadcast %lt3A : i32 to vector<1x6912xi32>
    %lt3A_28 = arith.cmpi slt, %rem3A_24, %lt3A_27 : vector<1x6912xi32>
    %lt3A_29 = arith.constant 0 : i32
    %lt3A_30 = arith.cmpi slt, %select_n3A_23, %lt3A_29 : i32
    %ne3A_31 = vector.broadcast %lt3A_30 : i1 to vector<1x6912xi1>
    %ne3A_32 = vector.broadcast %ne3A_31 : vector<1x6912xi1> to vector<1x6912xi1>
    %ne3A_33 = arith.xori %lt3A_28, %ne3A_32 : vector<1x6912xi1>
    %and3A = arith.andi %ne3A_33, %ne3A_26 : vector<1x6912xi1>
    %add3A = vector.broadcast %select_n3A_23 : i32 to vector<1x6912xi32>
    %add3A_34 = arith.addi %rem3A_24, %add3A : vector<1x6912xi32>
    %select_n3A_35 = arith.select %and3A, %add3A_34, %rem3A_24 : vector<1x6912xi1>, vector<1x6912xi32>
    %add3A_36 = arith.constant 1 : i32
    %add3A_37 = arith.addi %sub3A_15, %add3A_36 : i32
    %jit3A_38 = arith.constant 384 : i32
    %div3A = vector.broadcast %jit3A_38 : i32 to vector<1x6912xi32>
    %div3A_39 = arith.divsi %iota3A, %div3A : vector<1x6912xi32>
    %sign3A = arith.constant 0 : i32
    %sign3A_40 = vector.broadcast %sign3A : i32 to vector<1x6912xi32>
    %sign3A_41 = arith.cmpi sgt, %iota3A, %sign3A_40 : vector<1x6912xi32>
    %sign3A_42 = arith.extui %sign3A_41 : vector<1x6912xi1> to vector<1x6912xi32>
    %sign3A_43 = arith.constant 0 : i32
    %sign3A_44 = vector.broadcast %sign3A_43 : i32 to vector<1x6912xi32>
    %sign3A_45 = arith.cmpi slt, %iota3A, %sign3A_44 : vector<1x6912xi32>
    %sign3A_46 = arith.extui %sign3A_45 : vector<1x6912xi1> to vector<1x6912xi32>
    %sign3A_47 = arith.subi %sign3A_42, %sign3A_46 : vector<1x6912xi32>
    %sign3A_48 = arith.constant 0 : i32
    %sign3A_49 = arith.cmpi sgt, %jit3A_38, %sign3A_48 : i32
    %sign3A_50 = arith.extui %sign3A_49 : i1 to i32
    %sign3A_51 = arith.constant 0 : i32
    %sign3A_52 = arith.cmpi slt, %jit3A_38, %sign3A_51 : i32
    %sign3A_53 = arith.extui %sign3A_52 : i1 to i32
    %sign3A_54 = arith.subi %sign3A_50, %sign3A_53 : i32
    %ne3A_55 = vector.broadcast %sign3A_54 : i32 to vector<1x6912xi32>
    %ne3A_56 = arith.cmpi ne, %sign3A_47, %ne3A_55 : vector<1x6912xi32>
    %rem3A_57 = vector.broadcast %jit3A_38 : i32 to vector<1x6912xi32>
    %rem3A_58 = arith.remsi %iota3A, %rem3A_57 : vector<1x6912xi32>
    %ne3A_59 = arith.constant 0 : i32
    %ne3A_60 = vector.broadcast %ne3A_59 : i32 to vector<1x6912xi32>
    %ne3A_61 = arith.cmpi ne, %rem3A_58, %ne3A_60 : vector<1x6912xi32>
    %and3A_62 = arith.andi %ne3A_56, %ne3A_61 : vector<1x6912xi1>
    %sub3A_63 = arith.constant 1 : i32
    %sub3A_64 = vector.broadcast %sub3A_63 : i32 to vector<1x6912xi32>
    %sub3A_65 = arith.subi %div3A_39, %sub3A_64 : vector<1x6912xi32>
    %select_n3A_66 = arith.select %and3A_62, %sub3A_65, %div3A_39 : vector<1x6912xi1>, vector<1x6912xi32>
    %add3A_67 = vector.broadcast %add3A_37 : i32 to vector<1x6912xi32>
    %add3A_68 = arith.addi %add3A_67, %select_n3A_66 : vector<1x6912xi32>
    %eq3A_69 = arith.constant 0 : i32
    %eq3A_70 = vector.broadcast %eq3A_69 : i32 to vector<1x6912xi32>
    %eq3A_71 = arith.cmpi eq, %select_n3A_35, %eq3A_70 : vector<1x6912xi32>
    %jit3A_72 = arith.constant 0.000000e+00 : f32
    %broadcast_in_dim3A_73 = vector.shape_cast %eq3A_71 : vector<1x6912xi1> to vector<1x6912xi1>
    %broadcast_in_dim3A_74 = vector.broadcast %broadcast_in_dim3A_73 : vector<1x6912xi1> to vector<96x6912xi1>
    %broadcast_in_dim3A_75 = vector.broadcast %jit3A_72 : f32 to vector<96x6912xf32>
    %select_n3A_76 = arith.select %broadcast_in_dim3A_74, %broadcast_in_dim3A_75, %slice3A_17 : vector<96x6912xi1>, vector<96x6912xf32>
    %eq3A_77 = arith.constant 383 : i32
    %eq3A_78 = vector.broadcast %eq3A_77 : i32 to vector<1x6912xi32>
    %eq3A_79 = arith.cmpi eq, %select_n3A_35, %eq3A_78 : vector<1x6912xi32>
    %jit3A_80 = arith.constant 0.000000e+00 : f32
    %broadcast_in_dim3A_81 = vector.shape_cast %eq3A_79 : vector<1x6912xi1> to vector<1x6912xi1>
    %broadcast_in_dim3A_82 = vector.broadcast %broadcast_in_dim3A_81 : vector<1x6912xi1> to vector<96x6912xi1>
    %broadcast_in_dim3A_83 = vector.broadcast %jit3A_80 : f32 to vector<96x6912xf32>
    %select_n3A_84 = arith.select %broadcast_in_dim3A_82, %broadcast_in_dim3A_83, %slice3A_18 : vector<96x6912xi1>, vector<96x6912xf32>
    %add3A_85 = arith.addf %slice3A, %slice3A_16 : vector<96x6912xf32>
    %add3A_86 = arith.addf %select_n3A_76, %select_n3A_84 : vector<96x6912xf32>
    %add3A_87 = arith.addf %add3A_85, %add3A_86 : vector<96x6912xf32>
    %gt3A = arith.constant 0 : i32
    %gt3A_88 = vector.broadcast %gt3A : i32 to vector<1x6912xi32>
    %gt3A_89 = arith.cmpi sgt, %add3A_68, %gt3A_88 : vector<1x6912xi32>
    %convert_element_type3A = arith.extui %gt3A_89 : vector<1x6912xi1> to vector<1x6912xi32>
    %convert_element_type3A_90 = arith.sitofp %convert_element_type3A : vector<1x6912xi32> to vector<1x6912xf32>
    %lt3A_91 = arith.constant 383 : i32
    %lt3A_92 = vector.broadcast %lt3A_91 : i32 to vector<1x6912xi32>
    %lt3A_93 = arith.cmpi slt, %add3A_68, %lt3A_92 : vector<1x6912xi32>
    %convert_element_type3A_94 = arith.extui %lt3A_93 : vector<1x6912xi1> to vector<1x6912xi32>
    %convert_element_type3A_95 = arith.sitofp %convert_element_type3A_94 : vector<1x6912xi32> to vector<1x6912xf32>
    %add3A_96 = arith.addf %convert_element_type3A_90, %convert_element_type3A_95 : vector<1x6912xf32>
    %gt3A_97 = arith.constant 0 : i32
    %gt3A_98 = vector.broadcast %gt3A_97 : i32 to vector<1x6912xi32>
    %gt3A_99 = arith.cmpi sgt, %select_n3A_35, %gt3A_98 : vector<1x6912xi32>
    %convert_element_type3A_100 = arith.extui %gt3A_99 : vector<1x6912xi1> to vector<1x6912xi32>
    %convert_element_type3A_101 = arith.sitofp %convert_element_type3A_100 : vector<1x6912xi32> to vector<1x6912xf32>
    %add3A_102 = arith.addf %add3A_96, %convert_element_type3A_101 : vector<1x6912xf32>
    %lt3A_103 = arith.constant 383 : i32
    %lt3A_104 = vector.broadcast %lt3A_103 : i32 to vector<1x6912xi32>
    %lt3A_105 = arith.cmpi slt, %select_n3A_35, %lt3A_104 : vector<1x6912xi32>
    %convert_element_type3A_106 = arith.extui %lt3A_105 : vector<1x6912xi1> to vector<1x6912xi32>
    %convert_element_type3A_107 = arith.sitofp %convert_element_type3A_106 : vector<1x6912xi32> to vector<1x6912xf32>
    %add3A_108 = arith.addf %add3A_102, %convert_element_type3A_107 : vector<1x6912xf32>
    %div3A_109 = vector.broadcast %add3A_108 : vector<1x6912xf32> to vector<96x6912xf32>
    %div3A_110 = arith.divf %add3A_87, %div3A_109 : vector<96x6912xf32>
    %slice3A_111 = vector.extract_strided_slice %concatenate3A {offsets = [0, 384], sizes = [96, 6912], strides = [1, 1]} : vector<96x7680xf32> to vector<96x6912xf32>
    %get3A_112 = arith.constant 0 : index
    %get3A_113 = arith.constant 0 : index
    %get3A_114 = vector.load %arg4[%get3A_112, %get3A_113] : memref<96x96xf32, #tpu.memory_space<vmem>>, vector<96x96xf32>
    %dot_general3A = arith.constant dense<0.000000e+00> : vector<96x6912xf32>
    %dot_general3A_115 = tpu.matmul %get3A_114, %div3A_110, %dot_general3A {dimension_numbers = #tpu.dot_dimension_numbers<[1], [0], [0], [1], [0, 0, 1, 1], [], []>, transpose_lhs_hint = false} : vector<96x96xf32>, vector<96x6912xf32>, vector<96x6912xf32> -> vector<96x6912xf32>
    %get3A_116 = arith.constant 0 : index
    %get3A_117 = arith.constant 0 : index
    %get3A_118 = vector.load %arg5[%get3A_116, %get3A_117] : memref<96x96xf32, #tpu.memory_space<vmem>>, vector<96x96xf32>
    %dot_general3A_119 = arith.constant dense<0.000000e+00> : vector<96x6912xf32>
    %dot_general3A_120 = tpu.matmul %get3A_118, %slice3A_111, %dot_general3A_119 {dimension_numbers = #tpu.dot_dimension_numbers<[1], [0], [0], [1], [0, 0, 1, 1], [], []>, transpose_lhs_hint = false} : vector<96x96xf32>, vector<96x6912xf32>, vector<96x6912xf32> -> vector<96x6912xf32>
    %add3A_121 = arith.addf %dot_general3A_115, %dot_general3A_120 : vector<96x6912xf32>
    %get3A_122 = arith.constant 0 : index
    %get3A_123 = arith.constant 0 : index
    %get3A_124 = vector.load %arg6[%get3A_122, %get3A_123] : memref<96x1xf32, #tpu.memory_space<vmem>>, vector<96x1xf32>
    %add3A_125 = vector.broadcast %get3A_124 : vector<96x1xf32> to vector<96x6912xf32>
    %add3A_126 = arith.addf %add3A_121, %add3A_125 : vector<96x6912xf32>
    %max3A = arith.constant 0.000000e+00 : f32
    %max3A_127 = vector.broadcast %max3A : f32 to vector<96x6912xf32>
    %max3A_128 = arith.maximumf %add3A_126, %max3A_127 : vector<96x6912xf32>
    %iota3A_129 = tpu.iota {dimensions = array<i32: 1>} : vector<1x6912xi32>
    %sub3A_130 = arith.constant 1 : i32
    %sub3A_131 = arith.subi %mul3A_14, %sub3A_130 : i32
    %jit3A_132 = arith.constant 384 : i32
    %div3A_133 = vector.broadcast %jit3A_132 : i32 to vector<1x6912xi32>
    %div3A_134 = arith.divsi %iota3A_129, %div3A_133 : vector<1x6912xi32>
    %sign3A_135 = arith.constant 0 : i32
    %sign3A_136 = vector.broadcast %sign3A_135 : i32 to vector<1x6912xi32>
    %sign3A_137 = arith.cmpi sgt, %iota3A_129, %sign3A_136 : vector<1x6912xi32>
    %sign3A_138 = arith.extui %sign3A_137 : vector<1x6912xi1> to vector<1x6912xi32>
    %sign3A_139 = arith.constant 0 : i32
    %sign3A_140 = vector.broadcast %sign3A_139 : i32 to vector<1x6912xi32>
    %sign3A_141 = arith.cmpi slt, %iota3A_129, %sign3A_140 : vector<1x6912xi32>
    %sign3A_142 = arith.extui %sign3A_141 : vector<1x6912xi1> to vector<1x6912xi32>
    %sign3A_143 = arith.subi %sign3A_138, %sign3A_142 : vector<1x6912xi32>
    %sign3A_144 = arith.constant 0 : i32
    %sign3A_145 = arith.cmpi sgt, %jit3A_132, %sign3A_144 : i32
    %sign3A_146 = arith.extui %sign3A_145 : i1 to i32
    %sign3A_147 = arith.constant 0 : i32
    %sign3A_148 = arith.cmpi slt, %jit3A_132, %sign3A_147 : i32
    %sign3A_149 = arith.extui %sign3A_148 : i1 to i32
    %sign3A_150 = arith.subi %sign3A_146, %sign3A_149 : i32
    %ne3A_151 = vector.broadcast %sign3A_150 : i32 to vector<1x6912xi32>
    %ne3A_152 = arith.cmpi ne, %sign3A_143, %ne3A_151 : vector<1x6912xi32>
    %rem3A_153 = vector.broadcast %jit3A_132 : i32 to vector<1x6912xi32>
    %rem3A_154 = arith.remsi %iota3A_129, %rem3A_153 : vector<1x6912xi32>
    %ne3A_155 = arith.constant 0 : i32
    %ne3A_156 = vector.broadcast %ne3A_155 : i32 to vector<1x6912xi32>
    %ne3A_157 = arith.cmpi ne, %rem3A_154, %ne3A_156 : vector<1x6912xi32>
    %and3A_158 = arith.andi %ne3A_152, %ne3A_157 : vector<1x6912xi1>
    %sub3A_159 = arith.constant 1 : i32
    %sub3A_160 = vector.broadcast %sub3A_159 : i32 to vector<1x6912xi32>
    %sub3A_161 = arith.subi %div3A_134, %sub3A_160 : vector<1x6912xi32>
    %select_n3A_162 = arith.select %and3A_158, %sub3A_161, %div3A_134 : vector<1x6912xi1>, vector<1x6912xi32>
    %add3A_163 = vector.broadcast %sub3A_131 : i32 to vector<1x6912xi32>
    %add3A_164 = arith.addi %add3A_163, %select_n3A_162 : vector<1x6912xi32>
    %ge3A = arith.constant 0 : i32
    %ge3A_165 = vector.broadcast %ge3A : i32 to vector<1x6912xi32>
    %ge3A_166 = arith.cmpi sge, %add3A_164, %ge3A_165 : vector<1x6912xi32>
    %lt3A_167 = arith.constant 384 : i32
    %lt3A_168 = vector.broadcast %lt3A_167 : i32 to vector<1x6912xi32>
    %lt3A_169 = arith.cmpi slt, %add3A_164, %lt3A_168 : vector<1x6912xi32>
    %and3A_170 = arith.andi %ge3A_166, %lt3A_169 : vector<1x6912xi1>
    %jit3A_171 = arith.constant 0.000000e+00 : f32
    %broadcast_in_dim3A_172 = vector.shape_cast %and3A_170 : vector<1x6912xi1> to vector<1x6912xi1>
    %broadcast_in_dim3A_173 = vector.broadcast %broadcast_in_dim3A_172 : vector<1x6912xi1> to vector<96x6912xi1>
    %broadcast_in_dim3A_174 = vector.broadcast %jit3A_171 : f32 to vector<96x6912xf32>
    %select_n3A_175 = arith.select %broadcast_in_dim3A_173, %max3A_128, %broadcast_in_dim3A_174 : vector<96x6912xi1>, vector<96x6912xf32>
    %sub3A_176 = arith.constant 1 : i32
    %sub3A_177 = arith.subi %mul3A_14, %sub3A_176 : i32
    %slice3A_178 = vector.extract_strided_slice %select_n3A_175 {offsets = [0, 0], sizes = [96, 6144], strides = [1, 1]} : vector<96x6912xf32> to vector<96x6144xf32>
    %slice3A_179 = vector.extract_strided_slice %select_n3A_175 {offsets = [0, 768], sizes = [96, 6144], strides = [1, 1]} : vector<96x6912xf32> to vector<96x6144xf32>
    %slice3A_180 = vector.extract_strided_slice %select_n3A_175 {offsets = [0, 383], sizes = [96, 6144], strides = [1, 1]} : vector<96x6912xf32> to vector<96x6144xf32>
    %slice3A_181 = vector.extract_strided_slice %select_n3A_175 {offsets = [0, 385], sizes = [96, 6144], strides = [1, 1]} : vector<96x6912xf32> to vector<96x6144xf32>
    %iota3A_182 = tpu.iota {dimensions = array<i32: 1>} : vector<1x6144xi32>
    %jit3A_183 = arith.constant 384 : i32
    %eq3A_184 = arith.constant 0 : i32
    %eq3A_185 = arith.cmpi eq, %jit3A_183, %eq3A_184 : i32
    %jit3A_186 = arith.constant 1 : i32
    %select_n3A_187 = arith.select %eq3A_185, %jit3A_186, %jit3A_183 : i32
    %rem3A_188 = vector.broadcast %select_n3A_187 : i32 to vector<1x6144xi32>
    %rem3A_189 = arith.remsi %iota3A_182, %rem3A_188 : vector<1x6144xi32>
    %ne3A_190 = arith.constant 0 : i32
    %ne3A_191 = vector.broadcast %ne3A_190 : i32 to vector<1x6144xi32>
    %ne3A_192 = arith.cmpi ne, %rem3A_189, %ne3A_191 : vector<1x6144xi32>
    %lt3A_193 = arith.constant 0 : i32
    %lt3A_194 = vector.broadcast %lt3A_193 : i32 to vector<1x6144xi32>
    %lt3A_195 = arith.cmpi slt, %rem3A_189, %lt3A_194 : vector<1x6144xi32>
    %lt3A_196 = arith.constant 0 : i32
    %lt3A_197 = arith.cmpi slt, %select_n3A_187, %lt3A_196 : i32
    %ne3A_198 = vector.broadcast %lt3A_197 : i1 to vector<1x6144xi1>
    %ne3A_199 = vector.broadcast %ne3A_198 : vector<1x6144xi1> to vector<1x6144xi1>
    %ne3A_200 = arith.xori %lt3A_195, %ne3A_199 : vector<1x6144xi1>
    %and3A_201 = arith.andi %ne3A_200, %ne3A_192 : vector<1x6144xi1>
    %add3A_202 = vector.broadcast %select_n3A_187 : i32 to vector<1x6144xi32>
    %add3A_203 = arith.addi %rem3A_189, %add3A_202 : vector<1x6144xi32>
    %select_n3A_204 = arith.select %and3A_201, %add3A_203, %rem3A_189 : vector<1x6144xi1>, vector<1x6144xi32>
    %add3A_205 = arith.constant 1 : i32
    %add3A_206 = arith.addi %sub3A_177, %add3A_205 : i32
    %jit3A_207 = arith.constant 384 : i32
    %div3A_208 = vector.broadcast %jit3A_207 : i32 to vector<1x6144xi32>
    %div3A_209 = arith.divsi %iota3A_182, %div3A_208 : vector<1x6144xi32>
    %sign3A_210 = arith.constant 0 : i32
    %sign3A_211 = vector.broadcast %sign3A_210 : i32 to vector<1x6144xi32>
    %sign3A_212 = arith.cmpi sgt, %iota3A_182, %sign3A_211 : vector<1x6144xi32>
    %sign3A_213 = arith.extui %sign3A_212 : vector<1x6144xi1> to vector<1x6144xi32>
    %sign3A_214 = arith.constant 0 : i32
    %sign3A_215 = vector.broadcast %sign3A_214 : i32 to vector<1x6144xi32>
    %sign3A_216 = arith.cmpi slt, %iota3A_182, %sign3A_215 : vector<1x6144xi32>
    %sign3A_217 = arith.extui %sign3A_216 : vector<1x6144xi1> to vector<1x6144xi32>
    %sign3A_218 = arith.subi %sign3A_213, %sign3A_217 : vector<1x6144xi32>
    %sign3A_219 = arith.constant 0 : i32
    %sign3A_220 = arith.cmpi sgt, %jit3A_207, %sign3A_219 : i32
    %sign3A_221 = arith.extui %sign3A_220 : i1 to i32
    %sign3A_222 = arith.constant 0 : i32
    %sign3A_223 = arith.cmpi slt, %jit3A_207, %sign3A_222 : i32
    %sign3A_224 = arith.extui %sign3A_223 : i1 to i32
    %sign3A_225 = arith.subi %sign3A_221, %sign3A_224 : i32
    %ne3A_226 = vector.broadcast %sign3A_225 : i32 to vector<1x6144xi32>
    %ne3A_227 = arith.cmpi ne, %sign3A_218, %ne3A_226 : vector<1x6144xi32>
    %rem3A_228 = vector.broadcast %jit3A_207 : i32 to vector<1x6144xi32>
    %rem3A_229 = arith.remsi %iota3A_182, %rem3A_228 : vector<1x6144xi32>
    %ne3A_230 = arith.constant 0 : i32
    %ne3A_231 = vector.broadcast %ne3A_230 : i32 to vector<1x6144xi32>
    %ne3A_232 = arith.cmpi ne, %rem3A_229, %ne3A_231 : vector<1x6144xi32>
    %and3A_233 = arith.andi %ne3A_227, %ne3A_232 : vector<1x6144xi1>
    %sub3A_234 = arith.constant 1 : i32
    %sub3A_235 = vector.broadcast %sub3A_234 : i32 to vector<1x6144xi32>
    %sub3A_236 = arith.subi %div3A_209, %sub3A_235 : vector<1x6144xi32>
    %select_n3A_237 = arith.select %and3A_233, %sub3A_236, %div3A_209 : vector<1x6144xi1>, vector<1x6144xi32>
    %add3A_238 = vector.broadcast %add3A_206 : i32 to vector<1x6144xi32>
    %add3A_239 = arith.addi %add3A_238, %select_n3A_237 : vector<1x6144xi32>
    %eq3A_240 = arith.constant 0 : i32
    %eq3A_241 = vector.broadcast %eq3A_240 : i32 to vector<1x6144xi32>
    %eq3A_242 = arith.cmpi eq, %select_n3A_204, %eq3A_241 : vector<1x6144xi32>
    %jit3A_243 = arith.constant 0.000000e+00 : f32
    %broadcast_in_dim3A_244 = vector.shape_cast %eq3A_242 : vector<1x6144xi1> to vector<1x6144xi1>
    %broadcast_in_dim3A_245 = vector.broadcast %broadcast_in_dim3A_244 : vector<1x6144xi1> to vector<96x6144xi1>
    %broadcast_in_dim3A_246 = vector.broadcast %jit3A_243 : f32 to vector<96x6144xf32>
    %select_n3A_247 = arith.select %broadcast_in_dim3A_245, %broadcast_in_dim3A_246, %slice3A_180 : vector<96x6144xi1>, vector<96x6144xf32>
    %eq3A_248 = arith.constant 383 : i32
    %eq3A_249 = vector.broadcast %eq3A_248 : i32 to vector<1x6144xi32>
    %eq3A_250 = arith.cmpi eq, %select_n3A_204, %eq3A_249 : vector<1x6144xi32>
    %jit3A_251 = arith.constant 0.000000e+00 : f32
    %broadcast_in_dim3A_252 = vector.shape_cast %eq3A_250 : vector<1x6144xi1> to vector<1x6144xi1>
    %broadcast_in_dim3A_253 = vector.broadcast %broadcast_in_dim3A_252 : vector<1x6144xi1> to vector<96x6144xi1>
    %broadcast_in_dim3A_254 = vector.broadcast %jit3A_251 : f32 to vector<96x6144xf32>
    %select_n3A_255 = arith.select %broadcast_in_dim3A_253, %broadcast_in_dim3A_254, %slice3A_181 : vector<96x6144xi1>, vector<96x6144xf32>
    %add3A_256 = arith.addf %slice3A_178, %slice3A_179 : vector<96x6144xf32>
    %add3A_257 = arith.addf %select_n3A_247, %select_n3A_255 : vector<96x6144xf32>
    %add3A_258 = arith.addf %add3A_256, %add3A_257 : vector<96x6144xf32>
    %gt3A_259 = arith.constant 0 : i32
    %gt3A_260 = vector.broadcast %gt3A_259 : i32 to vector<1x6144xi32>
    %gt3A_261 = arith.cmpi sgt, %add3A_239, %gt3A_260 : vector<1x6144xi32>
    %convert_element_type3A_262 = arith.extui %gt3A_261 : vector<1x6144xi1> to vector<1x6144xi32>
    %convert_element_type3A_263 = arith.sitofp %convert_element_type3A_262 : vector<1x6144xi32> to vector<1x6144xf32>
    %lt3A_264 = arith.constant 383 : i32
    %lt3A_265 = vector.broadcast %lt3A_264 : i32 to vector<1x6144xi32>
    %lt3A_266 = arith.cmpi slt, %add3A_239, %lt3A_265 : vector<1x6144xi32>
    %convert_element_type3A_267 = arith.extui %lt3A_266 : vector<1x6144xi1> to vector<1x6144xi32>
    %convert_element_type3A_268 = arith.sitofp %convert_element_type3A_267 : vector<1x6144xi32> to vector<1x6144xf32>
    %add3A_269 = arith.addf %convert_element_type3A_263, %convert_element_type3A_268 : vector<1x6144xf32>
    %gt3A_270 = arith.constant 0 : i32
    %gt3A_271 = vector.broadcast %gt3A_270 : i32 to vector<1x6144xi32>
    %gt3A_272 = arith.cmpi sgt, %select_n3A_204, %gt3A_271 : vector<1x6144xi32>
    %convert_element_type3A_273 = arith.extui %gt3A_272 : vector<1x6144xi1> to vector<1x6144xi32>
    %convert_element_type3A_274 = arith.sitofp %convert_element_type3A_273 : vector<1x6144xi32> to vector<1x6144xf32>
    %add3A_275 = arith.addf %add3A_269, %convert_element_type3A_274 : vector<1x6144xf32>
    %lt3A_276 = arith.constant 383 : i32
    %lt3A_277 = vector.broadcast %lt3A_276 : i32 to vector<1x6144xi32>
    %lt3A_278 = arith.cmpi slt, %select_n3A_204, %lt3A_277 : vector<1x6144xi32>
    %convert_element_type3A_279 = arith.extui %lt3A_278 : vector<1x6144xi1> to vector<1x6144xi32>
    %convert_element_type3A_280 = arith.sitofp %convert_element_type3A_279 : vector<1x6144xi32> to vector<1x6144xf32>
    %add3A_281 = arith.addf %add3A_275, %convert_element_type3A_280 : vector<1x6144xf32>
    %div3A_282 = vector.broadcast %add3A_281 : vector<1x6144xf32> to vector<96x6144xf32>
    %div3A_283 = arith.divf %add3A_258, %div3A_282 : vector<96x6144xf32>
    %slice3A_284 = vector.extract_strided_slice %select_n3A_175 {offsets = [0, 384], sizes = [96, 6144], strides = [1, 1]} : vector<96x6912xf32> to vector<96x6144xf32>
    %get3A_285 = arith.constant 0 : index
    %get3A_286 = arith.constant 0 : index
    %get3A_287 = vector.load %arg7[%get3A_285, %get3A_286] : memref<96x96xf32, #tpu.memory_space<vmem>>, vector<96x96xf32>
    %dot_general3A_288 = arith.constant dense<0.000000e+00> : vector<96x6144xf32>
    %dot_general3A_289 = tpu.matmul %get3A_287, %div3A_283, %dot_general3A_288 {dimension_numbers = #tpu.dot_dimension_numbers<[1], [0], [0], [1], [0, 0, 1, 1], [], []>, transpose_lhs_hint = false} : vector<96x96xf32>, vector<96x6144xf32>, vector<96x6144xf32> -> vector<96x6144xf32>
    %get3A_290 = arith.constant 0 : index
    %get3A_291 = arith.constant 0 : index
    %get3A_292 = vector.load %arg8[%get3A_290, %get3A_291] : memref<96x96xf32, #tpu.memory_space<vmem>>, vector<96x96xf32>
    %dot_general3A_293 = arith.constant dense<0.000000e+00> : vector<96x6144xf32>
    %dot_general3A_294 = tpu.matmul %get3A_292, %slice3A_284, %dot_general3A_293 {dimension_numbers = #tpu.dot_dimension_numbers<[1], [0], [0], [1], [0, 0, 1, 1], [], []>, transpose_lhs_hint = false} : vector<96x96xf32>, vector<96x6144xf32>, vector<96x6144xf32> -> vector<96x6144xf32>
    %add3A_295 = arith.addf %dot_general3A_289, %dot_general3A_294 : vector<96x6144xf32>
    %get3A_296 = arith.constant 0 : index
    %get3A_297 = arith.constant 0 : index
    %get3A_298 = vector.load %arg9[%get3A_296, %get3A_297] : memref<96x1xf32, #tpu.memory_space<vmem>>, vector<96x1xf32>
    %add3A_299 = vector.broadcast %get3A_298 : vector<96x1xf32> to vector<96x6144xf32>
    %add3A_300 = arith.addf %add3A_295, %add3A_299 : vector<96x6144xf32>
    %swap3A = arith.constant 0 : index
    %swap3A_301 = arith.constant 0 : index
    %swap3A_302 = vector.load %arg10[%swap3A, %swap3A_301] : memref<96x6144xf32, #tpu.memory_space<vmem>>, vector<96x6144xf32>
    tpu.vector_store %arg10[%swap3A, %swap3A_301], %add3A_300 {strides = array<i32>} : memref<96x6144xf32, #tpu.memory_space<vmem>>, vector<96x6144xf32>,
    return
  }
  func.func @transform_0(%arg0: i32) -> (i32, i32) {
    %c0_i32 = arith.constant 0 : i32
    %c0_i32_0 = arith.constant 0 : i32
    return %c0_i32, %arg0 : i32, i32
  }
  func.func @transform_1(%arg0: i32) -> (i32, i32) {
    %mul3A = arith.constant 8 : i32
    %mul3A_0 = arith.muli %arg0, %mul3A : i32
    %sub3A = arith.constant 1 : i32
    %sub3A_1 = arith.subi %mul3A_0, %sub3A : i32
    %max3A = arith.constant 0 : i32
    %max3A_2 = arith.maxsi %sub3A_1, %max3A : i32
    %c0_i32 = arith.constant 0 : i32
    %c0_i32_3 = arith.constant 0 : i32
    return %c0_i32, %max3A_2 : i32, i32
  }
  func.func @transform_2(%arg0: i32) -> (i32, i32) {
    %add3A = arith.constant 1 : i32
    %add3A_0 = arith.addi %arg0, %add3A : i32
    %mul3A = arith.constant 8 : i32
    %mul3A_1 = arith.muli %add3A_0, %mul3A : i32
    %min3A = arith.constant 191 : i32
    %min3A_2 = arith.minsi %mul3A_1, %min3A : i32
    %c0_i32 = arith.constant 0 : i32
    %c0_i32_3 = arith.constant 0 : i32
    return %c0_i32, %min3A_2 : i32, i32
  }
  func.func @transform_3(%arg0: i32) -> (i32, i32) {
    %c0_i32 = arith.constant 0 : i32
    %c0_i32_0 = arith.constant 0 : i32
    %c0_i32_1 = arith.constant 0 : i32
    return %c0_i32, %c0_i32_0 : i32, i32
  }
  func.func @transform_4(%arg0: i32) -> (i32, i32) {
    %c0_i32 = arith.constant 0 : i32
    %c0_i32_0 = arith.constant 0 : i32
    %c0_i32_1 = arith.constant 0 : i32
    return %c0_i32, %c0_i32_0 : i32, i32
  }
  func.func @transform_5(%arg0: i32) -> (i32, i32) {
    %c0_i32 = arith.constant 0 : i32
    %c0_i32_0 = arith.constant 0 : i32
    %c0_i32_1 = arith.constant 0 : i32
    return %c0_i32, %c0_i32_0 : i32, i32
  }
  func.func @transform_6(%arg0: i32) -> (i32, i32) {
    %c0_i32 = arith.constant 0 : i32
    %c0_i32_0 = arith.constant 0 : i32
    %c0_i32_1 = arith.constant 0 : i32
    return %c0_i32, %c0_i32_0 : i32, i32
  }
  func.func @transform_7(%arg0: i32) -> (i32, i32) {
    %c0_i32 = arith.constant 0 : i32
    %c0_i32_0 = arith.constant 0 : i32
    %c0_i32_1 = arith.constant 0 : i32
    return %c0_i32, %c0_i32_0 : i32, i32
  }
  func.func @transform_8(%arg0: i32) -> (i32, i32) {
    %c0_i32 = arith.constant 0 : i32
    %c0_i32_0 = arith.constant 0 : i32
    %c0_i32_1 = arith.constant 0 : i32
    return %c0_i32, %c0_i32_0 : i32, i32
  }
  func.func @transform_9(%arg0: i32) -> (i32, i32) {
    %c0_i32 = arith.constant 0 : i32
    %c0_i32_0 = arith.constant 0 : i32
    return %c0_i32, %arg0 : i32, i32
  }
}

module attributes {stable_mosaic.version = 14 : i64} {
  func.func @_upsample_block(%arg0: i32, %arg1: memref<1x384x384xf32, #tpu.memory_space<vmem>>, %arg2: memref<600x384xf32, #tpu.memory_space<vmem>>, %arg3: memref<384x1200xf32, #tpu.memory_space<vmem>>, %arg4: memref<1x600x1200xf32, #tpu.memory_space<vmem>>) attributes {dimension_semantics = [#tpu.dimension_semantics<arbitrary>], iteration_bounds = array<i64: 96>, scalar_prefetch = 0 : i64, scratch_operands = 0 : i64, tpu.core_type = #tpu.core_type<tc>, window_params = [{transform_indices = @transform_0, window_bounds = array<i64: 1, 384, 384>}, {pipeline_mode = #tpu.pipeline_mode<synchronous>, transform_indices = @transform_1, window_bounds = array<i64: 600, 384>}, {pipeline_mode = #tpu.pipeline_mode<synchronous>, transform_indices = @transform_2, window_bounds = array<i64: 384, 1200>}, {transform_indices = @transform_3, window_bounds = array<i64: 1, 600, 1200>}]} {
    %get3A = arith.constant 0 : index
    %get3A_0 = arith.constant 0 : index
    %get3A_1 = arith.constant 0 : index
    %get3A_2 = vector.load %arg1[%get3A, %get3A_0, %get3A_1] : memref<1x384x384xf32, #tpu.memory_space<vmem>>, vector<1x384x384xf32>
    %get3A_3 = vector.shape_cast %get3A_2 : vector<1x384x384xf32> to vector<384x384xf32>
    %get3A_4 = arith.constant 0 : index
    %get3A_5 = arith.constant 0 : index
    %get3A_6 = vector.load %arg2[%get3A_4, %get3A_5] : memref<600x384xf32, #tpu.memory_space<vmem>>, vector<600x384xf32>
    %dot_general3A = arith.constant dense<0.000000e+00> : vector<600x384xf32>
    %dot_general3A_7 = tpu.matmul %get3A_6, %get3A_3, %dot_general3A {dimension_numbers = #tpu.dot_dimension_numbers<[1], [0], [0], [1], [0, 0, 1, 1], [], []>, transpose_lhs_hint = false} : vector<600x384xf32>, vector<384x384xf32>, vector<600x384xf32> -> vector<600x384xf32>
    %get3A_8 = arith.constant 0 : index
    %get3A_9 = arith.constant 0 : index
    %get3A_10 = vector.load %arg3[%get3A_8, %get3A_9] : memref<384x1200xf32, #tpu.memory_space<vmem>>, vector<384x1200xf32>
    %dot_general3A_11 = arith.constant dense<0.000000e+00> : vector<600x1200xf32>
    %dot_general3A_12 = tpu.matmul %dot_general3A_7, %get3A_10, %dot_general3A_11 {dimension_numbers = #tpu.dot_dimension_numbers<[1], [0], [0], [1], [0, 0, 1, 1], [], []>, transpose_lhs_hint = false} : vector<600x384xf32>, vector<384x1200xf32>, vector<600x1200xf32> -> vector<600x1200xf32>
    %swap3A = arith.constant 0 : index
    %swap3A_13 = arith.constant 0 : index
    %swap3A_14 = arith.constant 0 : index
    %swap3A_15 = vector.load %arg4[%swap3A, %swap3A_13, %swap3A_14] : memref<1x600x1200xf32, #tpu.memory_space<vmem>>, vector<1x600x1200xf32>
    %swap3A_16 = vector.shape_cast %swap3A_15 : vector<1x600x1200xf32> to vector<600x1200xf32>
    %swap3A_17 = vector.shape_cast %dot_general3A_12 : vector<600x1200xf32> to vector<1x600x1200xf32>
    tpu.vector_store %arg4[%swap3A, %swap3A_13, %swap3A_14], %swap3A_17 {strides = array<i32>} : memref<1x600x1200xf32, #tpu.memory_space<vmem>>, vector<1x600x1200xf32>,
    return
  }
  func.func @transform_0(%arg0: i32) -> (i32, i32, i32) {
    %c0_i32 = arith.constant 0 : i32
    %c0_i32_0 = arith.constant 0 : i32
    %c0_i32_1 = arith.constant 0 : i32
    return %arg0, %c0_i32, %c0_i32_0 : i32, i32, i32
  }
  func.func @transform_1(%arg0: i32) -> (i32, i32) {
    %c0_i32 = arith.constant 0 : i32
    %c0_i32_0 = arith.constant 0 : i32
    %c0_i32_1 = arith.constant 0 : i32
    return %c0_i32, %c0_i32_0 : i32, i32
  }
  func.func @transform_2(%arg0: i32) -> (i32, i32) {
    %c0_i32 = arith.constant 0 : i32
    %c0_i32_0 = arith.constant 0 : i32
    %c0_i32_1 = arith.constant 0 : i32
    return %c0_i32, %c0_i32_0 : i32, i32
  }
  func.func @transform_3(%arg0: i32) -> (i32, i32, i32) {
    %c0_i32 = arith.constant 0 : i32
    %c0_i32_0 = arith.constant 0 : i32
    %c0_i32_1 = arith.constant 0 : i32
    return %arg0, %c0_i32, %c0_i32_0 : i32, i32, i32
  }
}

</mosaic_0001>

<sc_bundles>
// kernel: sparse-core-data-format-call.1.cloned.1.call-start
scs
called_computation.1_lowered:
.L_overlay_start_0:
0x0: {  	s2 =	sld [smem:$0x3FD9]  }
0x1: {  	s3 =	sld [smem:$0x3FFE];
	_ =	sdelay $0x1  }
0x2: {  	s1 =	srdreg.scid  }
0x3: {  	s0 =	sand.u32 $0x1, s1  }
0x4: {  	s18 =	sshll.u32 s0, $0xA;
	s2 =	sadd.s32 s3, s2  }
0x5: {  	s2 =	sadd.s32 s2, s18  }
0x6: {  	[smem:$0x3FC1] =	sst s2  }
0x7: {  	_ = 	snop  }
0x8: {  	s2 =	sld [smem:$0x3FC9];
	(tm) =	ssettm $0x1  }
0x9: {  	s19 =	sld [smem:$0x3FFB];
	_ =	sdelay $0x3  }
0xa: {  	_ =	strace s19  }
0xb: {  	s3 =	sld [smem:$0x3FFC];
	_ =	sdelay $0x3  }
0xc: {  	_ =	strace s3  }
0xd: {  	s3 =	sld [smem:$0x3FFD];
	_ =	sdelay $0x3  }
0xe: {  	_ =	strace s3  }
0xf: {  	_ =	strace $0x8FFFFFFF  }
0x10: {  	s20 =	sld [smem:$0x3FDB];
	_ =	sdelay $0x1  }
0x11: {  	s4 =	simm.s32 $_scs_section_size  }
0x12: {  	s5 =	simm.s32 $_size__tile_overlayer_lowered;
	s6 =	simm.s32 $_tile_overlayer_lowered  }
0x13: {  	s23 =	simm.s32 $0x1BFF;
	s22 =	sshll.u32 s6, $0x1;
	s3 =	sadd.s32 s4, s20  }
0x14: {  	s7 =	simm.s32 $0x0;
	s21 =	sshll.u32 s5, $0x1;
	s5 =	sadd.s32 s22, s3  }
0x15: {  	[timem:s7], [sflag:s23] =	dma.local [hbm:s5], s21  }
0x16: {  	_ =	swait.ge [sflag:s23], s21  }
0x17: {  	s4 =	ssub.s32 $0x0, s21;
	[sflag:s23] =	ssyncset.done $0x0  }
0x18: {  	[sflag:s23] =	ssyncadd.s32 s4;
	_ =	sdelay $0x1  }
0x19: {  	s24 =	simm.s32 $0x1B8B  }
0x1a: {  	_ =	swait.ge [sflag:s24], $0x1  }
0x1b: {  	[sflag:s24] =	ssyncset.done $0x0  }
0x1c: {  	s26 =	simm.s32 $0x1B8E;
	s25 =	sld [smem:$0x3FFE];
	[sflag:s24] =	ssyncadd.s32 $0xFFFFFFFF  }
0x1d: {  	s27 =	simm.s32 $execute0_lowered;
	[smem:$0x3FD2] =	sst s26  }
0x1e: {  	s5 =	sshll.u32 s27, $0x1;
	_ =	strace $0x80000046;
	[dreg:$0x1] =	wrdreg $0xFFFFFFFF  }
0x1f: {  	s28 =	simm.s32 $_size_execute0_lowered;
	s3 =	sadd.s32 s3, s5;
	[dreg:$0x0] =	wrdreg $0x0  }
0x20: {  	s5 =	sshll.u32 s28, $0x1;
	[dreg:$0x2] =	wrdreg s3  }
0x21: {  	[dreg:$0x3] =	wrdreg s5  }
0x22: {  	[dreg:$0x4] =	wrdreg $0xC0  }
0x23: {  	_ =	task [dreg:s7], $0x5FFFF  }
0x24: {  	[dreg:$0x1] =	wrdreg $0xFFFFFFFF  }
0x25: {  	[dreg:$0x0] =	wrdreg $0x60  }
0x26: {  	[dreg:$0x2] =	wrdreg s2  }
0x27: {  	[dreg:$0x3] =	wrdreg s25  }
0x28: {  	[dreg:$0x4] =	wrdreg $0x9  }
0x29: {  	_ =	task.clear_ibuf [dreg:s7], $0x5FFFF;
	_ =	strace $0x90000046  }
0x2a: {  	s29 =	simm.s32 $0x9;
	_ =	strace $0x80000048  }
0x2b: {  	_ =	swait.ge [sflag:s29], $0x1  }
0x2c: {  	[sflag:s29] =	ssyncadd.s32 $0xFFFFFFFF  }
0x2d: {  	_ =	strace $0x90000048  }
0x2e: {  	_ =	sfence  }
0x2f: {  	s30 =	sld [smem:$0x0];
	_ =	sdelay $0x2  }
0x30: {  	s31 =	sshll.u32 s1, $0xD;
	s1 =	sshrl.u32 s1, $0x2  }
0x31: {  	s3 =	sand.u32 $0x4000, s31;
	s1 =	sadd.s32 s1, s30  }
0x32: {  	s0 =	sor.u32 s3, s0;
	s1 =	sshll.u32 s1, $0x11  }
0x33: {  	s0 =	sor.u32 s1, s0  }
0x34: {  	s0 =	sadd.s32 $0x8F2B, s0  }
0x35: {  	[sflag:s0] =	ssyncadd.remote.s32 $0x1  }
0x36: {  	_ =	sfence.sel $0xFFFF  }
0x37: {  	[dreg:$0x0] =	wrdreg $0xFFFFFFFF;
	(pc) =	sbr.abs _section_cstart, $3  }
0x38: {  	[dreg:$0x1] =	wrdreg $0xFFFFFFFF  }
0x39: {  	_ =	task.clear_ibuf [dreg:s7], $0x2FFFF;
	_ =	strace $0x9FFFFFFF  }
0x3a: {  	(tm) =	ssettm $0x7FFFFFFF  }
0x3b: {  	_ =	shalt  }
tec
execute0_lowered:
.L_overlay_start_1:
0x0: {  	(tag) =	ssettag $0x1  }
0x1: {  	s2 =	rddreg [dreg:$0x0]  }
0x2: {  	s1 =	rddreg [dreg:$0x1]  }
0x3: {  	s0 =	rddreg [dreg:$0x2];
	s4 =	srdreg.scid  }
0x4: {  	_ =	strace $0x80000047;
	s7 =	simm.s32 $0x2;
	s15 =	simm.s32 $0x0  }
0x5: {  	p0 =	por $0x0, $0x0;
	s13 =	simm.s32 $0x0;
	s16 =	simm.s32 $0x0  }
0x6: {  	s14 =	simm.s32 $0x0;
	s9 =	simm.s32 $0x0;
	s10 =	simm.s32 $0x0  }
.Ltmp0:
0x7: {  	s3 =	sadd.s32 $0x1800, s1;
	s4 =	sshll.u32 s4, $0x4;
	(pc) =	sbr.rel .LBB1_1-.Ltmp0, $4  }
0x8: {  	s1 =	stileid.u32;
	s5 =	sand.u32 $0x10, s4;
	s4 =	simm.s32 $0x1  }
0x9: {  	s8 =	simm.s32 $0x0;
	s6 =	sor.u32 s1, s5;
	[sflag:s4] =	ssyncpa.u1 $0x0  }
0xa: {  	s5 =	sand.u32 $0x3, s1;
	s6 =	sshrl.u32 s6, $0x2;
	[sflag:s7] =	ssyncpa.u1 $0x0  }
0xb: {  	s7 =	simm.s32 $0xC00;
	s12 =	smov.u32 s5;
	s11 =	smov.u32 s6  }
.LBB1_5:
0xc: {  	s17 =	sadd.s32 $0x80, s9  }
0xd: {  	s13 =	sadd.s32 $0x80, s10;
	s18 =	smov.u32 s10;
	p2 =	sgt.s32 s17, $0x17F  }
0xe: {  	s18 =	smov.u32 @p2 s13  }
0xf: {  	s19 =	smov.u32 s11;
	s13 =	sadd.s32 $0x8, s11;
	p3 =	sgt.s32 s18, $0x17F  }
0x10: {  	s19 =	smov.u32 @p3 s13  }
0x11: {  	s20 =	smov.u32 s12;
	s13 =	sadd.s32 $0x4, s12;
	p4 =	sgt.s32 s19, $0x7  }
0x12: {  	p1 =	slt.u32 s8, $0x2;
	s20 =	smov.u32 @p4 s13  }
0x13: {  	s8 =	sadd.s32 $0x1, s8;
	s17 =	simm.s32 @p2 $0x0;
	p2 =	sgt.s32 s20, $0xB  }
0x14: {  	s15 =	smov.u32 s9;
	s20 =	smov.u32 @p2 s5;
	p2 =	sne.s32 s8, $0x1D  }
.Ltmp1:
0x15: {  	s16 =	smov.u32 s11;
	s21 =	simm.s32 @!p1 $0x2;
	(pc) =	sbr.rel @!p2 .LBB1_6-.Ltmp1, $4  }
0x16: {  	s14 =	smov.u32 s12;
	p0 =	por !p0, !p0;
	_ =	swait.ge @!p1 [sflag:s21], $0x4000  }
0x17: {  	[sflag:s21] =	ssyncset.done @!p1 $0x0;
	s9 =	smov.u32 s17;
	s18 =	simm.s32 @p3 $0x0  }
0x18: {  	[sflag:s21] =	ssyncadd.s32 @!p1 $0xFFFFC000;
	s19 =	smov.u32 @p4 s6;
	s13 =	smov.u32 s10  }
0x19: {  	s10 =	smov.u32 s18;
	s11 =	smov.u32 s19;
	s12 =	smov.u32 s20  }
.LBB1_1:
0x1a: {  	p1 =	sgt.u32 s8, $0x1A  }
0x1b: {  	s17 =	sshrl.u32 @!p1 s10, $0x3  }
0x1c: {  	s18 =	sshll.u32 @!p1 s9, $0x3;
	s17 =	smul.u32 @!p1 $0xC00, s17  }
0x1d: {  	s19 =	sshll.u32 @!p1 s10, $0x7;
	s18 =	sand.u32 @!p1 $0xFFFFFC00, s18  }
0x1e: {  	s17 =	sadd.s32 @!p1 s17, s18;
	s18 =	sand.u32 @!p1 $0x380, s19  }
0x1f: {  	s19 =	sand.u32 @!p1 $0x7F, s9;
	s17 =	sor.u32 @!p1 s18, s17  }
0x20: {  	s18 =	sor.u32 @!p1 s19, s17;
	s17 =	smulhi.u32 @!p1 $0xAAAAAAAB, s17;
	_ =	sdelay $0x1  }
0x21: {  	s19 =	smulhi.u32 @!p1 $0xAAAAAAAB, s18;
	s17 =	sshrl.u32 @!p1 s17, $0x8  }
0x22: {  	s20 =	smulhi.u32 @!p1 $0xAAAAAB, s17  }
0x23: {  	s22 =	smul.u32 @!p1 $0x24000, s12  }
0x24: {  	s19 =	sshrl.u32 @!p1 s19, $0x8;
	s20 =	smul.u32 @!p1 $0x180, s20  }
0x25: {  	s21 =	sxor.u32 @!p1 $0xFFFFFFFF, s8;
	s19 =	smul.u32 @!p1 $0x180, s19  }
0x26: {  	s21 =	sshll.u32 @!p1 s21, $0xE;
	s17 =	ssub.s32 @!p1 s17, s20;
	s20 =	smul.u32 @!p1 $0x4800, s11  }
0x27: {  	s18 =	ssub.s32 @!p1 s18, s19;
	s19 =	sadd.s32 @!p1 s2, s22;
	s17 =	smul.u32 @!p1 $0x30, s17  }
0x28: {  	s21 =	sand.u32 @!p1 $0x4000, s21;
	s19 =	sadd.s32 @!p1 s20, s19;
	s20 =	sand.u32 @!p1 $0x7, s18  }
0x29: {  	s18 =	sshrl.u32 @!p1 s18, $0x3;
	s17 =	sadd.s32 @!p1 s17, s19;
	s19 =	sshll.u32 @!p1 s20, $0x12  }
0x2a: {  	s17 =	sadd.s32 @!p1 s18, s17;
	s18 =	sor.u32 @!p1 $0x400, s19;
	s19 =	simm.s32 @!p1 $0xC00  }
0x2b: {  	[tilespmem:s21], [sflag:$0x1] =	stream.strided.gather @!p1 [hbm4b:s17+s18], $0x4000, s19, s18, $0x38;
	[tilespmem:$0x10000] =	vst v63  }
0x2c: {  	p1 =	seq.s32 s8, $0x0  }
0x2d: {  	p2 =	seq.s32 @!p1 s8, $0x1C  }
0x2e: {  	p1 =	por p1, p2  }
.Ltmp2:
0x2f: {  	_ = 	snop;
	(pc) =	sbr.rel @p1 .LBB1_5-.Ltmp2, $1  }
0x30: {  	_ =	sdelay $0x3  }
0x31: {  	s17 =	simm.s32 $0x1  }
0x32: {  	s17 =	simm.s32 @!p0 $0x0  }
0x33: {  	s17 =	sshll.u32 s17, $0xE  }
0x34: {  	s18 =	sor.u32 $0x40, s17  }
0x35: {  	v1 =	vmov s18;
	_ =	sdelay $0x1  }
0x36: {  	_ =	swait.ge [sflag:s4], $0x4000  }
0x37: {  	[sflag:s4] =	ssyncset.done $0x0  }
0x38: {  	s19 =	simm.s32 $0x0;
	[sflag:s4] =	ssyncadd.s32 $0xFFFFC000  }
0x39: {  	s17 =	sor.u32 $0x8070, s17;
	v6 =	vld.idx.msk [tilespmem:v1+s19+$0x30 ss:$0x1], $0xffff  }
0x3a: {  	v0 =	vmov s17;
	v8 =	vld.idx.msk [tilespmem:v1+s19+$0xFFFFFFC0 ss:$0x1], $0xffff  }
0x3b: {  	v7 =	vld.idx.msk [tilespmem:v1+s19+$0xFFFFFFD0 ss:$0x1], $0xffff  }
0x3c: {  	v5 =	vld.idx.msk [tilespmem:v1+s19+$0xFFFFFFE0 ss:$0x1], $0xffff  }
0x3d: {  	v4 =	vld.idx.msk [tilespmem:v1+s19+$0xFFFFFFF0 ss:$0x1], $0xffff  }
0x3e: {  	s31 =	sshll.u32 s8, $0xE;
	v2 =	vld.idx.msk [tilespmem:v1+s19+$0x0 ss:$0x1], $0xffff  }
0x3f: {  	s17 =	sand.u32 $0x4000, s31;
	v3 =	vld.idx.msk [tilespmem:v1+s19+$0x10 ss:$0x1], $0xffff;
	[tilespmem:v0+s19+$0x0 ss:$0x1] =	vst.idx.msk $0xffff, v6  }
0x40: {  	s20 =	simm.s32 $0x400;
	s18 =	simm.s32 $0x80;
	s17 =	sor.u32 $0x8000, s17;
	[tilespmem:v0+s19+$0xFFFFFF90 ss:$0x1] =	vst.idx.msk $0xffff, v8;
	v6 =	vld.idx.msk [tilespmem:v1+s19+$0x20 ss:$0x1], $0xffff  }
.LBB1_3:
0x41: {  	p1 =	sne.s32 s20, $0xFE00;
	v8 =	vld.idx.msk [tilespmem:v1+s18+$0x30 ss:$0x1], $0xffff;
	[tilespmem:v0+s19+$0xFFFFFFA0 ss:$0x1] =	vst.idx.msk $0xffff, v7  }
0x42: {  	v9 =	vld.idx.msk [tilespmem:v1+s18+$0xFFFFFFC0 ss:$0x1], $0xffff;
	[tilespmem:v0+s19+$0xFFFFFFB0 ss:$0x1] =	vst.idx.msk $0xffff, v5  }
0x43: {  	v7 =	vld.idx.msk [tilespmem:v1+s18+$0xFFFFFFD0 ss:$0x1], $0xffff;
	[tilespmem:v0+s19+$0xFFFFFFC0 ss:$0x1] =	vst.idx.msk $0xffff, v4  }
.Ltmp3:
0x44: {  	v5 =	vld.idx.msk [tilespmem:v1+s18+$0xFFFFFFE0 ss:$0x1], $0xffff;
	[tilespmem:v0+s19+$0xFFFFFFD0 ss:$0x1] =	vst.idx.msk $0xffff, v2;
	(pc) =	sbr.rel @p1 .LBB1_3-.Ltmp3, $4  }
0x45: {  	v4 =	vld.idx.msk [tilespmem:v1+s18+$0xFFFFFFF0 ss:$0x1], $0xffff;
	[tilespmem:v0+s19+$0xFFFFFFE0 ss:$0x1] =	vst.idx.msk $0xffff, v3  }
0x46: {  	v2 =	vld.idx.msk [tilespmem:v1+s18+$0x0 ss:$0x1], $0xffff;
	[tilespmem:v0+s19+$0xFFFFFFF0 ss:$0x1] =	vst.idx.msk $0xffff, v6;
	s19 =	smov.u32 s18  }
0x47: {  	v3 =	vld.idx.msk [tilespmem:v1+s19+$0x10 ss:$0x1], $0xffff;
	[tilespmem:v0+s19+$0x0 ss:$0x1] =	vst.idx.msk $0xffff, v8  }
0x48: {  	s18 =	sshra.s32 s20, $0x2;
	s20 =	sadd.s32 $0x200, s20;
	[tilespmem:v0+s19+$0xFFFFFF90 ss:$0x1] =	vst.idx.msk $0xffff, v9;
	v6 =	vld.idx.msk [tilespmem:v1+s19+$0x20 ss:$0x1], $0xffff  }
0x49: {  	_ =	sdelay $0x2  }
0x4a: {  	s20 =	sshrl.u32 s16, $0x3  }
0x4b: {  	s21 =	sshll.u32 s15, $0x3;
	[tilespmem:v0+s19+$0xFFFFFFA0 ss:$0x1] =	vst.idx.msk $0xffff, v7;
	s20 =	smul.u32 $0xC00, s20  }
0x4c: {  	s27 =	sshll.u32 s16, $0x7;
	v56 =	vld.idx.msk [tilespmem:v1+s18+$0x30 ss:$0x1], $0xffff;
	[tilespmem:v0+s19+$0xFFFFFFB0 ss:$0x1] =	vst.idx.msk $0xffff, v5;
	s21 =	sand.u32 $0xFFFFFC00, s21  }
0x4d: {  	v57 =	vld.idx.msk [tilespmem:v1+s18+$0xFFFFFFC0 ss:$0x1], $0xffff;
	s16 =	sand.u32 $0x380, s27;
	[tilespmem:v0+s19+$0xFFFFFFC0 ss:$0x1] =	vst.idx.msk $0xffff, v4;
	s20 =	sadd.s32 s20, s21  }
0x4e: {  	s28 =	sand.u32 $0x7F, s15;
	v58 =	vld.idx.msk [tilespmem:v1+s18+$0xFFFFFFD0 ss:$0x1], $0xffff;
	[tilespmem:v0+s19+$0xFFFFFFD0 ss:$0x1] =	vst.idx.msk $0xffff, v2;
	s16 =	sor.u32 s16, s20  }
0x4f: {  	v59 =	vld.idx.msk [tilespmem:v1+s18+$0xFFFFFFE0 ss:$0x1], $0xffff;
	[tilespmem:v0+s19+$0xFFFFFFE0 ss:$0x1] =	vst.idx.msk $0xffff, v3;
	s15 =	sor.u32 s28, s16;
	s16 =	smulhi.u32 $0xAAAAAAAB, s16  }
0x50: {  	v60 =	vld.idx.msk [tilespmem:v1+s18+$0xFFFFFFF0 ss:$0x1], $0xffff;
	[tilespmem:v0+s19+$0xFFFFFFF0 ss:$0x1] =	vst.idx.msk $0xffff, v6;
	s29 =	smulhi.u32 $0xAAAAAAAB, s15  }
0x51: {  	v61 =	vld.idx.msk [tilespmem:v1+s18+$0x0 ss:$0x1], $0xffff;
	s14 =	smul.u32 $0x24000, s14;
	[tilespmem:v0+s18+$0x0 ss:$0x1] =	vst.idx.msk $0xffff, v56  }
0x52: {  	v62 =	vld.idx.msk [tilespmem:v1+s18+$0x10 ss:$0x1], $0xffff;
	s13 =	smul.u32 $0x180, s13;
	[tilespmem:v0+s18+$0xFFFFFF90 ss:$0x1] =	vst.idx.msk $0xffff, v57;
	s16 =	sshrl.u32 s16, $0x8;
	s30 =	sshrl.u32 s29, $0x8  }
0x53: {  	v63 =	vld.idx.msk [tilespmem:v1+s18+$0x20 ss:$0x1], $0xffff;
	[tilespmem:v0+s18+$0xFFFFFFA0 ss:$0x1] =	vst.idx.msk $0xffff, v58;
	s16 =	sand.u32 $0x7, s16;
	s19 =	smul.u32 $0x180, s30  }
0x54: {  	[tilespmem:v0+s18+$0xFFFFFFB0 ss:$0x1] =	vst.idx.msk $0xffff, v59;
	s16 =	smul.u32 $0x30, s16  }
.Ltmp4:
0x55: {  	s14 =	sadd.s32 s3, s14;
	[tilespmem:v0+s18+$0xFFFFFFC0 ss:$0x1] =	vst.idx.msk $0xffff, v60;
	s15 =	ssub.s32 s15, s19;
	(pc) =	sbr.rel .LBB1_5-.Ltmp4, $4  }
0x56: {  	s13 =	sadd.s32 s13, s14;
	[tilespmem:v0+s18+$0xFFFFFFD0 ss:$0x1] =	vst.idx.msk $0xffff, v61;
	s31 =	sand.u32 $0x7, s15  }
0x57: {  	[tilespmem:v0+s18+$0xFFFFFFE0 ss:$0x1] =	vst.idx.msk $0xffff, v62;
	s13 =	sadd.s32 s16, s13;
	s15 =	sshrl.u32 s15, $0x3;
	s14 =	sshll.u32 s31, $0x12  }
0x58: {  	[tilespmem:v0+s18+$0xFFFFFFF0 ss:$0x1] =	vst.idx.msk $0xffff, v63;
	s13 =	sadd.s32 s15, s13;
	s14 =	sor.u32 $0x80, s14  }
0x59: {  	[hbm4b:s13+s14] =	stream.strided.scatter [tilespmem:s17], [sflag:$0x2], $0x4000, s7, s14, $0x38;
	[tilespmem:$0x10000] =	vst v63  }
.LBB1_6:
0x5a: {  	_ =	sfence.sel $0x180000  }
0x5b: {  	s2 =	simm.s32 $0x1;
	[bflag:$0x0] =	sbarrier.arrive $0xFFFF  }
0x5c: {  	s31 =	simm.s32 $0x2;
	[sflag:s2] =	ssyncpa.u1 $0x1  }
0x5d: {  	[sflag:s31] =	ssyncpa.u1 $0x1  }
0x5e: {  	p0 =	sne.s32 s1, $0x0;
	_ =	strace $0x90000047  }
0x5f: {  	s0 =	sadd.s32 @!p0 $0x100000, s0;
	[bflag:$0x2] =	sbarrier.arrive $0xFFFF  }
0x60: {  	[sflag:s0] =	ssyncadd.tile.s32 @!p0 $0x1;
	_ =	shalt  }
.Lfunc_end1:
_tile_overlayer_lowered:
.L_overlay_start_2:
0x61: {  	(tag) =	ssettag $0x2  }
0x62: {  	s0 =	rddreg [dreg:$0x0];
	s2 =	stileid.u32  }
0x63: {  	s1 =	rddreg [dreg:$0x1];
	p0 =	sne.s32 s2, $0x0  }
0x64: {  	s3 =	rddreg [dreg:$0x2];
	[bflag:$0x3] =	sbarrier.arrive $0xFFFF;
	s2 =	simm.s32 @!p0 $0x1C01  }
0x65: {  	[timem:s3], [sflag:s2] =	dma.local @!p0 [hbm:s0], s1  }
0x66: {  	s0 =	simm.s32 @!p0 $0x1  }
0x67: {  	_ =	swait.ge @!p0 [sflag:s0], s1  }
0x68: {  	s1 =	ssub.s32 @!p0 $0x0, s1;
	[sflag:s0] =	ssyncset.done @!p0 $0x0  }
0x69: {  	[sflag:s0] =	ssyncadd.s32 @!p0 s1  }
0x6a: {  	[bflag:$0x3] =	sbarrier.arrive $0xFFFF  }
0x6b: {  	_ =	shalt  }

// kernel: sparse-core-data-format-call.cloned.1.call-start
scs
called_computation_lowered:
.L_overlay_start_0:
0x0: {  	s2 =	sld [smem:$0x3FD9]  }
0x1: {  	s3 =	sld [smem:$0x3FFE];
	_ =	sdelay $0x1  }
0x2: {  	s1 =	srdreg.scid  }
0x3: {  	s0 =	sand.u32 $0x1, s1  }
0x4: {  	s18 =	sshll.u32 s0, $0xA;
	s2 =	sadd.s32 s3, s2  }
0x5: {  	s2 =	sadd.s32 s2, s18  }
0x6: {  	[smem:$0x3FC1] =	sst s2  }
0x7: {  	_ = 	snop  }
0x8: {  	s2 =	sld [smem:$0x3FD0];
	(tm) =	ssettm $0x1  }
0x9: {  	s19 =	sld [smem:$0x3FFB];
	_ =	sdelay $0x3  }
0xa: {  	_ =	strace s19  }
0xb: {  	s3 =	sld [smem:$0x3FFC];
	_ =	sdelay $0x3  }
0xc: {  	_ =	strace s3  }
0xd: {  	s3 =	sld [smem:$0x3FFD];
	_ =	sdelay $0x3  }
0xe: {  	_ =	strace s3  }
0xf: {  	_ =	strace $0x8FFFFFFF  }
0x10: {  	s20 =	sld [smem:$0x3FDB];
	_ =	sdelay $0x1  }
0x11: {  	s4 =	simm.s32 $_scs_section_size  }
0x12: {  	s5 =	simm.s32 $_size__tile_overlayer_lowered;
	s6 =	simm.s32 $_tile_overlayer_lowered  }
0x13: {  	s23 =	simm.s32 $0x1BFF;
	s22 =	sshll.u32 s6, $0x1;
	s3 =	sadd.s32 s4, s20  }
0x14: {  	s7 =	simm.s32 $0x0;
	s21 =	sshll.u32 s5, $0x1;
	s5 =	sadd.s32 s22, s3  }
0x15: {  	[timem:s7], [sflag:s23] =	dma.local [hbm:s5], s21  }
0x16: {  	_ =	swait.ge [sflag:s23], s21  }
0x17: {  	s4 =	ssub.s32 $0x0, s21;
	[sflag:s23] =	ssyncset.done $0x0  }
0x18: {  	[sflag:s23] =	ssyncadd.s32 s4;
	_ =	sdelay $0x1  }
0x19: {  	s24 =	simm.s32 $0x1B8B  }
0x1a: {  	_ =	swait.ge [sflag:s24], $0x1  }
0x1b: {  	[sflag:s24] =	ssyncset.done $0x0  }
0x1c: {  	s26 =	simm.s32 $0x1B8E;
	s25 =	sld [smem:$0x3FFE];
	[sflag:s24] =	ssyncadd.s32 $0xFFFFFFFF  }
0x1d: {  	s27 =	simm.s32 $execute0_lowered;
	[smem:$0x3FD2] =	sst s26  }
0x1e: {  	s5 =	sshll.u32 s27, $0x1;
	_ =	strace $0x80000049;
	[dreg:$0x1] =	wrdreg $0xFFFFFFFF  }
0x1f: {  	s28 =	simm.s32 $_size_execute0_lowered;
	s3 =	sadd.s32 s3, s5;
	[dreg:$0x0] =	wrdreg $0x0  }
0x20: {  	s5 =	sshll.u32 s28, $0x1;
	[dreg:$0x2] =	wrdreg s3  }
0x21: {  	[dreg:$0x3] =	wrdreg s5  }
0x22: {  	[dreg:$0x4] =	wrdreg $0xC0  }
0x23: {  	_ =	task [dreg:s7], $0x5FFFF  }
0x24: {  	[dreg:$0x1] =	wrdreg $0xFFFFFFFF  }
0x25: {  	[dreg:$0x0] =	wrdreg $0x60  }
0x26: {  	[dreg:$0x2] =	wrdreg s2  }
0x27: {  	[dreg:$0x3] =	wrdreg s25  }
0x28: {  	[dreg:$0x4] =	wrdreg $0x9  }
0x29: {  	_ =	task.clear_ibuf [dreg:s7], $0x5FFFF;
	_ =	strace $0x90000049  }
0x2a: {  	s29 =	simm.s32 $0x9;
	_ =	strace $0x8000004B  }
0x2b: {  	_ =	swait.ge [sflag:s29], $0x1  }
0x2c: {  	[sflag:s29] =	ssyncadd.s32 $0xFFFFFFFF  }
0x2d: {  	_ =	strace $0x9000004B  }
0x2e: {  	_ =	sfence  }
0x2f: {  	s30 =	sld [smem:$0x0];
	_ =	sdelay $0x2  }
0x30: {  	s31 =	sshll.u32 s1, $0xD;
	s1 =	sshrl.u32 s1, $0x2  }
0x31: {  	s3 =	sand.u32 $0x4000, s31;
	s1 =	sadd.s32 s1, s30  }
0x32: {  	s0 =	sor.u32 s3, s0;
	s1 =	sshll.u32 s1, $0x11  }
0x33: {  	s0 =	sor.u32 s1, s0  }
0x34: {  	s0 =	sadd.s32 $0x8F2B, s0  }
0x35: {  	[sflag:s0] =	ssyncadd.remote.s32 $0x1  }
0x36: {  	_ =	sfence.sel $0xFFFF  }
0x37: {  	[dreg:$0x0] =	wrdreg $0xFFFFFFFF;
	(pc) =	sbr.abs _section_cstart, $3  }
0x38: {  	[dreg:$0x1] =	wrdreg $0xFFFFFFFF  }
0x39: {  	_ =	task.clear_ibuf [dreg:s7], $0x2FFFF;
	_ =	strace $0x9FFFFFFF  }
0x3a: {  	(tm) =	ssettm $0x7FFFFFFF  }
0x3b: {  	_ =	shalt  }
tec
execute0_lowered:
.L_overlay_start_1:
0x0: {  	(tag) =	ssettag $0x1  }
0x1: {  	s2 =	rddreg [dreg:$0x0]  }
0x2: {  	s1 =	rddreg [dreg:$0x1]  }
0x3: {  	s0 =	rddreg [dreg:$0x2];
	s4 =	srdreg.scid  }
0x4: {  	_ =	strace $0x8000004A;
	s7 =	simm.s32 $0x2;
	s15 =	simm.s32 $0x0  }
0x5: {  	p0 =	por $0x0, $0x0;
	s13 =	simm.s32 $0x0;
	s16 =	simm.s32 $0x0  }
0x6: {  	s14 =	simm.s32 $0x0;
	s9 =	simm.s32 $0x0;
	s11 =	simm.s32 $0x0  }
.Ltmp0:
0x7: {  	s3 =	sadd.s32 $0x1800, s1;
	s4 =	sshll.u32 s4, $0x4;
	(pc) =	sbr.rel .LBB1_1-.Ltmp0, $4  }
0x8: {  	s1 =	stileid.u32;
	s5 =	sand.u32 $0x10, s4;
	s4 =	simm.s32 $0x1  }
0x9: {  	s8 =	simm.s32 $0x0;
	s6 =	sor.u32 s1, s5;
	[sflag:s4] =	ssyncpa.u1 $0x0  }
0xa: {  	s5 =	sand.u32 $0x3, s1;
	s6 =	sshrl.u32 s6, $0x2;
	[sflag:s7] =	ssyncpa.u1 $0x0  }
0xb: {  	s7 =	simm.s32 $0xC00;
	s12 =	smov.u32 s5;
	s10 =	smov.u32 s6  }
.LBB1_5:
0xc: {  	s17 =	sadd.s32 $0x80, s9  }
0xd: {  	s13 =	sadd.s32 $0x8, s10;
	s18 =	smov.u32 s10;
	p2 =	sgt.s32 s17, $0x17F  }
0xe: {  	s18 =	smov.u32 @p2 s13  }
0xf: {  	s19 =	smov.u32 s11;
	s13 =	sadd.s32 $0x80, s11;
	p3 =	sgt.s32 s18, $0x7  }
0x10: {  	s19 =	smov.u32 @p3 s13  }
0x11: {  	s20 =	smov.u32 s12;
	s13 =	sadd.s32 $0x4, s12;
	p4 =	sgt.s32 s19, $0x17F  }
0x12: {  	p1 =	slt.u32 s8, $0x2;
	s20 =	smov.u32 @p4 s13  }
0x13: {  	s8 =	sadd.s32 $0x1, s8;
	s17 =	simm.s32 @p2 $0x0;
	p2 =	sgt.s32 s20, $0xB  }
0x14: {  	s15 =	smov.u32 s9;
	s20 =	smov.u32 @p2 s5;
	p2 =	sne.s32 s8, $0x1D  }
.Ltmp1:
0x15: {  	s16 =	smov.u32 s11;
	s21 =	simm.s32 @!p1 $0x2;
	(pc) =	sbr.rel @!p2 .LBB1_6-.Ltmp1, $4  }
0x16: {  	s14 =	smov.u32 s12;
	p0 =	por !p0, !p0;
	_ =	swait.ge @!p1 [sflag:s21], $0x4000  }
0x17: {  	[sflag:s21] =	ssyncset.done @!p1 $0x0;
	s9 =	smov.u32 s17;
	s18 =	smov.u32 @p3 s6  }
0x18: {  	[sflag:s21] =	ssyncadd.s32 @!p1 $0xFFFFC000;
	s19 =	simm.s32 @p4 $0x0;
	s13 =	smov.u32 s10  }
0x19: {  	s10 =	smov.u32 s18;
	s11 =	smov.u32 s19;
	s12 =	smov.u32 s20  }
.LBB1_1:
0x1a: {  	p1 =	sgt.u32 s8, $0x1A  }
0x1b: {  	s17 =	sshrl.u32 @!p1 s10, $0x3  }
0x1c: {  	s18 =	sshll.u32 @!p1 s9, $0x3;
	s17 =	smul.u32 @!p1 $0xC00, s17  }
0x1d: {  	s19 =	sshll.u32 @!p1 s10, $0x7;
	s18 =	sand.u32 @!p1 $0xFFFFFC00, s18  }
0x1e: {  	s17 =	sadd.s32 @!p1 s17, s18;
	s18 =	sand.u32 @!p1 $0x380, s19  }
0x1f: {  	s19 =	sand.u32 @!p1 $0x7F, s9;
	s17 =	sor.u32 @!p1 s18, s17  }
0x20: {  	s18 =	sor.u32 @!p1 s19, s17  }
0x21: {  	s19 =	smulhi.u32 @!p1 $0xAAAAAAAB, s18  }
0x22: {  	s17 =	smulhi.u32 @!p1 $0xAAAAAAAB, s17  }
0x23: {  	s21 =	smul.u32 @!p1 $0x24000, s12;
	s19 =	sshrl.u32 @!p1 s19, $0x8  }
0x24: {  	s20 =	sxor.u32 @!p1 $0xFFFFFFFF, s8;
	s17 =	sshrl.u32 @!p1 s17, $0x8;
	s19 =	smul.u32 @!p1 $0x180, s19  }
0x25: {  	s22 =	smul.u32 @!p1 $0x180, s11;
	s20 =	sshll.u32 @!p1 s20, $0xE;
	s17 =	sand.u32 @!p1 $0x7, s17  }
0x26: {  	s17 =	smul.u32 @!p1 $0x30, s17;
	s18 =	ssub.s32 @!p1 s18, s19;
	s19 =	sadd.s32 @!p1 s2, s21  }
0x27: {  	s20 =	sand.u32 @!p1 $0x4000, s20;
	s19 =	sadd.s32 @!p1 s22, s19;
	s21 =	sand.u32 @!p1 $0x7, s18  }
0x28: {  	s18 =	sshrl.u32 @!p1 s18, $0x3;
	s17 =	sadd.s32 @!p1 s17, s19;
	s19 =	sshll.u32 @!p1 s21, $0x12  }
0x29: {  	s17 =	sadd.s32 @!p1 s18, s17;
	s18 =	sor.u32 @!p1 $0x80, s19;
	s19 =	simm.s32 @!p1 $0xC00  }
0x2a: {  	[tilespmem:s20], [sflag:$0x1] =	stream.strided.gather @!p1 [hbm4b:s17+s18], $0x4000, s19, s18, $0x38;
	[tilespmem:$0x10000] =	vst v63  }
0x2b: {  	p1 =	seq.s32 s8, $0x0  }
0x2c: {  	p2 =	seq.s32 @!p1 s8, $0x1C  }
0x2d: {  	p1 =	por p1, p2  }
.Ltmp2:
0x2e: {  	_ = 	snop;
	(pc) =	sbr.rel @p1 .LBB1_5-.Ltmp2, $1  }
0x2f: {  	_ =	sdelay $0x3  }
0x30: {  	s17 =	simm.s32 $0x1  }
0x31: {  	s17 =	simm.s32 @!p0 $0x0  }
0x32: {  	s17 =	sshll.u32 s17, $0xE  }
0x33: {  	s18 =	sor.u32 $0x70, s17  }
0x34: {  	v1 =	vmov s18;
	_ =	sdelay $0x1  }
0x35: {  	_ =	swait.ge [sflag:s4], $0x4000  }
0x36: {  	[sflag:s4] =	ssyncset.done $0x0  }
0x37: {  	s19 =	simm.s32 $0x0;
	[sflag:s4] =	ssyncadd.s32 $0xFFFFC000  }
0x38: {  	s17 =	sor.u32 $0x8040, s17;
	v6 =	vld.idx.msk [tilespmem:v1+s19+$0x0 ss:$0x1], $0xffff  }
0x39: {  	v0 =	vmov s17;
	v8 =	vld.idx.msk [tilespmem:v1+s19+$0xFFFFFF90 ss:$0x1], $0xffff  }
0x3a: {  	v7 =	vld.idx.msk [tilespmem:v1+s19+$0xFFFFFFA0 ss:$0x1], $0xffff  }
0x3b: {  	v5 =	vld.idx.msk [tilespmem:v1+s19+$0xFFFFFFB0 ss:$0x1], $0xffff  }
0x3c: {  	v4 =	vld.idx.msk [tilespmem:v1+s19+$0xFFFFFFC0 ss:$0x1], $0xffff  }
0x3d: {  	s31 =	sshll.u32 s8, $0xE;
	v2 =	vld.idx.msk [tilespmem:v1+s19+$0xFFFFFFD0 ss:$0x1], $0xffff  }
0x3e: {  	s17 =	sand.u32 $0x4000, s31;
	v3 =	vld.idx.msk [tilespmem:v1+s19+$0xFFFFFFE0 ss:$0x1], $0xffff;
	[tilespmem:v0+s19+$0x30 ss:$0x1] =	vst.idx.msk $0xffff, v6  }
0x3f: {  	s20 =	simm.s32 $0x400;
	s18 =	simm.s32 $0x80;
	s17 =	sor.u32 $0x8000, s17;
	[tilespmem:v0+s19+$0xFFFFFFC0 ss:$0x1] =	vst.idx.msk $0xffff, v8;
	v6 =	vld.idx.msk [tilespmem:v1+s19+$0xFFFFFFF0 ss:$0x1], $0xffff  }
.LBB1_3:
0x40: {  	p1 =	sne.s32 s20, $0xFE00;
	v8 =	vld.idx.msk [tilespmem:v1+s18+$0x0 ss:$0x1], $0xffff;
	[tilespmem:v0+s19+$0xFFFFFFD0 ss:$0x1] =	vst.idx.msk $0xffff, v7  }
0x41: {  	v9 =	vld.idx.msk [tilespmem:v1+s18+$0xFFFFFF90 ss:$0x1], $0xffff;
	[tilespmem:v0+s19+$0xFFFFFFE0 ss:$0x1] =	vst.idx.msk $0xffff, v5  }
0x42: {  	v7 =	vld.idx.msk [tilespmem:v1+s18+$0xFFFFFFA0 ss:$0x1], $0xffff;
	[tilespmem:v0+s19+$0xFFFFFFF0 ss:$0x1] =	vst.idx.msk $0xffff, v4  }
.Ltmp3:
0x43: {  	v5 =	vld.idx.msk [tilespmem:v1+s18+$0xFFFFFFB0 ss:$0x1], $0xffff;
	[tilespmem:v0+s19+$0x0 ss:$0x1] =	vst.idx.msk $0xffff, v2;
	(pc) =	sbr.rel @p1 .LBB1_3-.Ltmp3, $4  }
0x44: {  	v4 =	vld.idx.msk [tilespmem:v1+s18+$0xFFFFFFC0 ss:$0x1], $0xffff;
	[tilespmem:v0+s19+$0x10 ss:$0x1] =	vst.idx.msk $0xffff, v3  }
0x45: {  	v2 =	vld.idx.msk [tilespmem:v1+s18+$0xFFFFFFD0 ss:$0x1], $0xffff;
	[tilespmem:v0+s19+$0x20 ss:$0x1] =	vst.idx.msk $0xffff, v6;
	s19 =	smov.u32 s18  }
0x46: {  	v3 =	vld.idx.msk [tilespmem:v1+s19+$0xFFFFFFE0 ss:$0x1], $0xffff;
	[tilespmem:v0+s19+$0x30 ss:$0x1] =	vst.idx.msk $0xffff, v8  }
0x47: {  	s18 =	sshra.s32 s20, $0x2;
	s20 =	sadd.s32 $0x200, s20;
	[tilespmem:v0+s19+$0xFFFFFFC0 ss:$0x1] =	vst.idx.msk $0xffff, v9;
	v6 =	vld.idx.msk [tilespmem:v1+s19+$0xFFFFFFF0 ss:$0x1], $0xffff  }
0x48: {  	s20 =	sshrl.u32 s16, $0x3  }
0x49: {  	s21 =	sshll.u32 s15, $0x3;
	s20 =	smul.u32 $0xC00, s20  }
0x4a: {  	s26 =	sshll.u32 s16, $0x7;
	s21 =	sand.u32 $0xFFFFFC00, s21  }
0x4b: {  	s16 =	sand.u32 $0x380, s26;
	s20 =	sadd.s32 s20, s21  }
0x4c: {  	[tilespmem:v0+s19+$0xFFFFFFD0 ss:$0x1] =	vst.idx.msk $0xffff, v7;
	s27 =	sand.u32 $0x7F, s15;
	s16 =	sor.u32 s16, s20  }
0x4d: {  	v56 =	vld.idx.msk [tilespmem:v1+s18+$0x0 ss:$0x1], $0xffff;
	[tilespmem:v0+s19+$0xFFFFFFE0 ss:$0x1] =	vst.idx.msk $0xffff, v5;
	s15 =	sor.u32 s27, s16;
	s16 =	smulhi.u32 $0xAAAAAAAB, s16  }
0x4e: {  	v57 =	vld.idx.msk [tilespmem:v1+s18+$0xFFFFFF90 ss:$0x1], $0xffff;
	[tilespmem:v0+s19+$0xFFFFFFF0 ss:$0x1] =	vst.idx.msk $0xffff, v4  }
0x4f: {  	v58 =	vld.idx.msk [tilespmem:v1+s18+$0xFFFFFFA0 ss:$0x1], $0xffff;
	s14 =	smul.u32 $0x24000, s14;
	[tilespmem:v0+s19+$0x0 ss:$0x1] =	vst.idx.msk $0xffff, v2;
	s16 =	sshrl.u32 s16, $0x8  }
0x50: {  	v59 =	vld.idx.msk [tilespmem:v1+s18+$0xFFFFFFB0 ss:$0x1], $0xffff;
	[tilespmem:v0+s19+$0x10 ss:$0x1] =	vst.idx.msk $0xffff, v3;
	s30 =	smulhi.u32 $0xAAAAAB, s16  }
0x51: {  	v60 =	vld.idx.msk [tilespmem:v1+s18+$0xFFFFFFC0 ss:$0x1], $0xffff;
	[tilespmem:v0+s19+$0x20 ss:$0x1] =	vst.idx.msk $0xffff, v6;
	s28 =	smulhi.u32 $0xAAAAAAAB, s15  }
0x52: {  	v61 =	vld.idx.msk [tilespmem:v1+s18+$0xFFFFFFD0 ss:$0x1], $0xffff;
	[tilespmem:v0+s18+$0x30 ss:$0x1] =	vst.idx.msk $0xffff, v56;
	s20 =	smul.u32 $0x180, s30  }
0x53: {  	v62 =	vld.idx.msk [tilespmem:v1+s18+$0xFFFFFFE0 ss:$0x1], $0xffff;
	s13 =	smul.u32 $0x4800, s13;
	[tilespmem:v0+s18+$0xFFFFFFC0 ss:$0x1] =	vst.idx.msk $0xffff, v57;
	s29 =	sshrl.u32 s28, $0x8  }
0x54: {  	v63 =	vld.idx.msk [tilespmem:v1+s18+$0xFFFFFFF0 ss:$0x1], $0xffff;
	[tilespmem:v0+s18+$0xFFFFFFD0 ss:$0x1] =	vst.idx.msk $0xffff, v58;
	s19 =	smul.u32 $0x180, s29;
	s16 =	ssub.s32 s16, s20  }
0x55: {  	[tilespmem:v0+s18+$0xFFFFFFE0 ss:$0x1] =	vst.idx.msk $0xffff, v59;
	s16 =	smul.u32 $0x30, s16  }
.Ltmp4:
0x56: {  	s14 =	sadd.s32 s3, s14;
	[tilespmem:v0+s18+$0xFFFFFFF0 ss:$0x1] =	vst.idx.msk $0xffff, v60;
	s15 =	ssub.s32 s15, s19;
	(pc) =	sbr.rel .LBB1_5-.Ltmp4, $4  }
0x57: {  	s13 =	sadd.s32 s13, s14;
	[tilespmem:v0+s18+$0x0 ss:$0x1] =	vst.idx.msk $0xffff, v61;
	s31 =	sand.u32 $0x7, s15  }
0x58: {  	[tilespmem:v0+s18+$0x10 ss:$0x1] =	vst.idx.msk $0xffff, v62;
	s15 =	sshrl.u32 s15, $0x3;
	s14 =	sshll.u32 s31, $0x12;
	s13 =	sadd.s32 s16, s13  }
0x59: {  	[tilespmem:v0+s18+$0x20 ss:$0x1] =	vst.idx.msk $0xffff, v63;
	s14 =	sor.u32 $0x400, s14;
	s13 =	sadd.s32 s15, s13  }
0x5a: {  	[hbm4b:s13+s14] =	stream.strided.scatter [tilespmem:s17], [sflag:$0x2], $0x4000, s7, s14, $0x38;
	[tilespmem:$0x10000] =	vst v63  }
.LBB1_6:
0x5b: {  	_ =	sfence.sel $0x180000  }
0x5c: {  	s2 =	simm.s32 $0x1;
	[bflag:$0x0] =	sbarrier.arrive $0xFFFF  }
0x5d: {  	s31 =	simm.s32 $0x2;
	[sflag:s2] =	ssyncpa.u1 $0x1  }
0x5e: {  	[sflag:s31] =	ssyncpa.u1 $0x1  }
0x5f: {  	p0 =	sne.s32 s1, $0x0;
	_ =	strace $0x9000004A  }
0x60: {  	s0 =	sadd.s32 @!p0 $0x100000, s0;
	[bflag:$0x2] =	sbarrier.arrive $0xFFFF  }
0x61: {  	[sflag:s0] =	ssyncadd.tile.s32 @!p0 $0x1;
	_ =	shalt  }
.Lfunc_end1:
_tile_overlayer_lowered:
.L_overlay_start_2:
0x62: {  	(tag) =	ssettag $0x2  }
0x63: {  	s0 =	rddreg [dreg:$0x0];
	s2 =	stileid.u32  }
0x64: {  	s1 =	rddreg [dreg:$0x1];
	p0 =	sne.s32 s2, $0x0  }
0x65: {  	s3 =	rddreg [dreg:$0x2];
	[bflag:$0x3] =	sbarrier.arrive $0xFFFF;
	s2 =	simm.s32 @!p0 $0x1C01  }
0x66: {  	[timem:s3], [sflag:s2] =	dma.local @!p0 [hbm:s0], s1  }
0x67: {  	s0 =	simm.s32 @!p0 $0x1  }
0x68: {  	_ =	swait.ge @!p0 [sflag:s0], s1  }
0x69: {  	s1 =	ssub.s32 @!p0 $0x0, s1;
	[sflag:s0] =	ssyncset.done @!p0 $0x0  }
0x6a: {  	[sflag:s0] =	ssyncadd.s32 @!p0 s1  }
0x6b: {  	[bflag:$0x3] =	sbarrier.arrive $0xFFFF  }
0x6c: {  	_ =	shalt  }

</sc_bundles>
